<compile_context>
chip_gen: v7x
topology: tpu7x:2x2x1
jax: 0.10.2.dev20260603
libtpu: 0.0.44.dev20260713+nightly
codegen_flags: <defaults>
</compile_context>

<pallas_src>
import functools

import jax
import jax.numpy as jnp
from jax import lax
from jax.experimental import pallas as pl
from jax.experimental.pallas import tpu as pltpu
from jax.experimental.pallas import tpu_sc as plsc

_B, _HW, _C = 32, 1024, 768
_SPLIT = 2
_HALF = _HW // _SPLIT


def _sc_gather(table):
    mesh = plsc.VectorSubcoreMesh(core_axis_name="c", subcore_axis_name="s")
    info = plsc.get_sparse_core_info()
    num_cores = info.num_cores
    num_subcores = info.num_subcores
    n_workers = num_cores * num_subcores
    rows_per_sub = _HW // n_workers

    @functools.partial(
        pl.kernel,
        mesh=mesh,
        out_type=jax.ShapeDtypeStruct((_HW, _C), jnp.float32),
        scratch_types=[pltpu.VMEM((rows_per_sub, _C), jnp.float32)],
    )
    def k(table_hbm, emb_hbm, buf):
        wid = lax.axis_index("s") * num_cores + lax.axis_index("c")
        row0 = wid * rows_per_sub
        pltpu.sync_copy(table_hbm.at[pl.ds(row0, rows_per_sub)], buf)
        pltpu.sync_copy(buf, emb_hbm.at[pl.ds(row0, rows_per_sub)])

    return k(table)


def _tc_broadcast(emb):
    def body(emb_ref, out_ref, sem0, sem1):
        sems = [sem0, sem1]
        copies = [
            pltpu.make_async_copy(
                emb_ref.at[pl.ds(j * _HALF, _HALF)],
                out_ref.at[i, pl.ds(j * _HALF, _HALF)],
                sems[(i * _SPLIT + j) % 2],
            )
            for i in range(_B)
            for j in range(_SPLIT)
        ]
        for c in copies:
            c.start()
        for c in copies:
            c.wait()

    return pl.pallas_call(
        body,
        in_specs=[pl.BlockSpec(memory_space=pltpu.VMEM)],
        out_specs=pl.BlockSpec(memory_space=pl.ANY),
        out_shape=jax.ShapeDtypeStruct((_B, _HW, _C), jnp.float32),
        scratch_shapes=[pltpu.SemaphoreType.DMA, pltpu.SemaphoreType.DMA],
    )(emb)


def kernel(inputs, table):
    del inputs
    return _tc_broadcast(_sc_gather(table))

# --- scband reference (transcript-rebuilt; emitter-appended) ---
"""Pipeline reference for scband-position-embedding2-d-57801669870252 (READ-ONLY COPY).

The authoritative reference and input builder live on the scoring server;
editing this copy changes nothing except your own understanding.
"""

import jax, jax.numpy as jnp
import numpy as np


def setup_inputs(seed: int = 0) -> dict:
    key = jax.random.key(seed)
    k1, k2 = jax.random.split(key)
    B, H, W, C = 32, 32, 32, 768
    inputs = jax.random.normal(k1, (B, H, W, C), dtype=jnp.float32)
    # learned parameter: FixedEmbedding table of shape [H*W, C]
    # keras 'uniform' initializer draws from U(-0.05, 0.05)
    table = jax.random.uniform(k2, (H * W, C), dtype=jnp.float32, minval=-0.05, maxval=0.05)
    return {"inputs": inputs, "table": table}


def reference(inputs, table):
    # PositionEmbedding2D.call: ignores input values, returns the position
    # embedding table gathered over all H*W positions, broadcast to batch.
    B = inputs.shape[0]
    HW = inputs.shape[1] * inputs.shape[2]
    C = inputs.shape[3]
    pos = jnp.arange(HW, dtype=jnp.int32)
    emb = jnp.take(table, pos, axis=0)  # [HW, C] embedding gather
    out = jnp.broadcast_to(emb[None, :, :], (B, HW, C))
    return out

if __name__ == "__main__":
    import jax
    _d = setup_inputs()
    print(jax.jit(kernel)(*tuple(_d.values())))

</pallas_src>

<mosaic_0001>
#map = affine_map<(d0, d1) -> (0, 0)>
module attributes {stable_mosaic.version = 14 : i64} {
  func.func @k(%arg0: i32, %arg1: i32, %arg2: memref<1024x768xf32, #tpu.memory_space<hbm>>, %arg3: memref<1024x768xf32, #tpu.memory_space<hbm>>, %arg4: memref<32x768xf32, #tpu.memory_space<vmem>>) attributes {dimension_semantics = [#tpu.dimension_semantics<core_parallel>, #tpu.dimension_semantics<subcore_parallel>], iteration_bounds = array<i64: 2, 16>, scalar_prefetch = 0 : i64, scratch_operands = 1 : i64, tpu.core_type = #tpu.core_type<sc_vector_subcore>, window_params = [{transform_indices = #map}, {transform_indices = #map}]} {
    %mul3A = arith.constant 2 : i32
    %mul3A_0 = arith.muli %arg1, %mul3A : i32
    %add3A = arith.addi %mul3A_0, %arg0 : i32
    %mul3A_1 = arith.constant 32 : i32
    %mul3A_2 = arith.muli %add3A, %mul3A_1 : i32
    "tpu.region"() ({
      %run_scoped3A = tpu.sem_alloc : memref<!tpu.dma_semaphore, #tpu.memory_space<semaphore_mem>>
      %dma_start3A = arith.constant 0 : i32
      %dma_start3A_3 = tpu.memref_slice %arg2[%mul3A_2, %dma_start3A] : memref<1024x768xf32, #tpu.memory_space<hbm>> -> memref<32x768xf32, #tpu.memory_space<hbm>>
      %dma_start3A_4 = arith.constant 0 : i32
      %dma_start3A_5 = tpu.memref_slice %arg2[%mul3A_2, %dma_start3A_4] : memref<1024x768xf32, #tpu.memory_space<hbm>> -> memref<32x768xf32, #tpu.memory_space<hbm>>
      tpu.enqueue_dma source(%dma_start3A_5 : memref<32x768xf32, #tpu.memory_space<hbm>>) target(%arg4 : memref<32x768xf32, #tpu.memory_space<vmem>>) target_semaphore(%run_scoped3A : memref<!tpu.dma_semaphore, #tpu.memory_space<semaphore_mem>>)
      %dma_wait3A = arith.constant 0 : i32
      %dma_wait3A_6 = tpu.memref_slice %arg2[%mul3A_2, %dma_wait3A] : memref<1024x768xf32, #tpu.memory_space<hbm>> -> memref<32x768xf32, #tpu.memory_space<hbm>>
      %dma_wait3A_7 = arith.constant 0 : i32
      %dma_wait3A_8 = tpu.memref_slice %arg2[%mul3A_2, %dma_wait3A_7] : memref<1024x768xf32, #tpu.memory_space<hbm>> -> memref<32x768xf32, #tpu.memory_space<hbm>>
      tpu.wait_dma2 semaphore(%run_scoped3A : memref<!tpu.dma_semaphore, #tpu.memory_space<semaphore_mem>>) src(%dma_wait3A_8 : memref<32x768xf32, #tpu.memory_space<hbm>>) dst(%arg4 : memref<32x768xf32, #tpu.memory_space<vmem>>)
      tpu.yield
    }) : () -> ()
    "tpu.region"() ({
      %run_scoped3A = tpu.sem_alloc : memref<!tpu.dma_semaphore, #tpu.memory_space<semaphore_mem>>
      %dma_start3A = arith.constant 0 : i32
      %dma_start3A_3 = tpu.memref_slice %arg3[%mul3A_2, %dma_start3A] : memref<1024x768xf32, #tpu.memory_space<hbm>> -> memref<32x768xf32, #tpu.memory_space<hbm>>
      %dma_start3A_4 = arith.constant 0 : i32
      %dma_start3A_5 = tpu.memref_slice %arg3[%mul3A_2, %dma_start3A_4] : memref<1024x768xf32, #tpu.memory_space<hbm>> -> memref<32x768xf32, #tpu.memory_space<hbm>>
      tpu.enqueue_dma source(%arg4 : memref<32x768xf32, #tpu.memory_space<vmem>>) target(%dma_start3A_5 : memref<32x768xf32, #tpu.memory_space<hbm>>) target_semaphore(%run_scoped3A : memref<!tpu.dma_semaphore, #tpu.memory_space<semaphore_mem>>)
      %dma_wait3A = arith.constant 0 : i32
      %dma_wait3A_6 = tpu.memref_slice %arg3[%mul3A_2, %dma_wait3A] : memref<1024x768xf32, #tpu.memory_space<hbm>> -> memref<32x768xf32, #tpu.memory_space<hbm>>
      %dma_wait3A_7 = arith.constant 0 : i32
      %dma_wait3A_8 = tpu.memref_slice %arg3[%mul3A_2, %dma_wait3A_7] : memref<1024x768xf32, #tpu.memory_space<hbm>> -> memref<32x768xf32, #tpu.memory_space<hbm>>
      tpu.wait_dma2 semaphore(%run_scoped3A : memref<!tpu.dma_semaphore, #tpu.memory_space<semaphore_mem>>) src(%arg4 : memref<32x768xf32, #tpu.memory_space<vmem>>) dst(%dma_wait3A_8 : memref<32x768xf32, #tpu.memory_space<hbm>>)
      tpu.yield
    }) : () -> ()
    return
  }
}

module attributes {stable_mosaic.version = 14 : i64} {
  func.func @body(%arg0: memref<1024x768xf32, #tpu.memory_space<vmem>>, %arg1: memref<32x1024x768xf32, #tpu.memory_space<any>>, %arg2: memref<!tpu.dma_semaphore, #tpu.memory_space<semaphore_mem>>, %arg3: memref<!tpu.dma_semaphore, #tpu.memory_space<semaphore_mem>>) attributes {dimension_semantics = [], scalar_prefetch = 0 : i64, scratch_operands = 2 : i64, tpu.core_type = #tpu.core_type<tc>} {
    %dma_start3A = arith.constant 0 : i32
    %dma_start3A_0 = arith.constant 0 : i32
    %dma_start3A_1 = arith.constant 0 : i32
    %dma_start3A_2 = tpu.memref_slice %arg1[%dma_start3A, %dma_start3A_0, %dma_start3A_1] : memref<32x1024x768xf32, #tpu.memory_space<any>> -> memref<1x512x768xf32, #tpu.memory_space<any>>
    %dma_start3A_3 = tpu.memref_squeeze %dma_start3A_2 : memref<1x512x768xf32, #tpu.memory_space<any>> -> memref<512x768xf32, #tpu.memory_space<any>>
    %dma_start3A_4 = arith.constant 0 : i32
    %dma_start3A_5 = arith.constant 0 : i32
    %dma_start3A_6 = tpu.memref_slice %arg0[%dma_start3A_4, %dma_start3A_5] : memref<1024x768xf32, #tpu.memory_space<vmem>> -> memref<512x768xf32, #tpu.memory_space<vmem>>
    tpu.enqueue_dma source(%dma_start3A_6 : memref<512x768xf32, #tpu.memory_space<vmem>>) target(%dma_start3A_3 : memref<512x768xf32, #tpu.memory_space<any>>) target_semaphore(%arg2 : memref<!tpu.dma_semaphore, #tpu.memory_space<semaphore_mem>>)
    %dma_start3A_7 = arith.constant 0 : i32
    %dma_start3A_8 = arith.constant 512 : i32
    %dma_start3A_9 = arith.constant 0 : i32
    %dma_start3A_10 = tpu.memref_slice %arg1[%dma_start3A_7, %dma_start3A_8, %dma_start3A_9] : memref<32x1024x768xf32, #tpu.memory_space<any>> -> memref<1x512x768xf32, #tpu.memory_space<any>>
    %dma_start3A_11 = tpu.memref_squeeze %dma_start3A_10 : memref<1x512x768xf32, #tpu.memory_space<any>> -> memref<512x768xf32, #tpu.memory_space<any>>
    %dma_start3A_12 = arith.constant 512 : i32
    %dma_start3A_13 = arith.constant 0 : i32
    %dma_start3A_14 = tpu.memref_slice %arg0[%dma_start3A_12, %dma_start3A_13] : memref<1024x768xf32, #tpu.memory_space<vmem>> -> memref<512x768xf32, #tpu.memory_space<vmem>>
    tpu.enqueue_dma source(%dma_start3A_14 : memref<512x768xf32, #tpu.memory_space<vmem>>) target(%dma_start3A_11 : memref<512x768xf32, #tpu.memory_space<any>>) target_semaphore(%arg3 : memref<!tpu.dma_semaphore, #tpu.memory_space<semaphore_mem>>)
    %dma_start3A_15 = arith.constant 1 : i32
    %dma_start3A_16 = arith.constant 0 : i32
    %dma_start3A_17 = arith.constant 0 : i32
    %dma_start3A_18 = tpu.memref_slice %arg1[%dma_start3A_15, %dma_start3A_16, %dma_start3A_17] : memref<32x1024x768xf32, #tpu.memory_space<any>> -> memref<1x512x768xf32, #tpu.memory_space<any>>
    %dma_start3A_19 = tpu.memref_squeeze %dma_start3A_18 : memref<1x512x768xf32, #tpu.memory_space<any>> -> memref<512x768xf32, #tpu.memory_space<any>>
    %dma_start3A_20 = arith.constant 0 : i32
    %dma_start3A_21 = arith.constant 0 : i32
    %dma_start3A_22 = tpu.memref_slice %arg0[%dma_start3A_20, %dma_start3A_21] : memref<1024x768xf32, #tpu.memory_space<vmem>> -> memref<512x768xf32, #tpu.memory_space<vmem>>
    tpu.enqueue_dma source(%dma_start3A_22 : memref<512x768xf32, #tpu.memory_space<vmem>>) target(%dma_start3A_19 : memref<512x768xf32, #tpu.memory_space<any>>) target_semaphore(%arg2 : memref<!tpu.dma_semaphore, #tpu.memory_space<semaphore_mem>>)
    %dma_start3A_23 = arith.constant 1 : i32
    %dma_start3A_24 = arith.constant 512 : i32
    %dma_start3A_25 = arith.constant 0 : i32
    %dma_start3A_26 = tpu.memref_slice %arg1[%dma_start3A_23, %dma_start3A_24, %dma_start3A_25] : memref<32x1024x768xf32, #tpu.memory_space<any>> -> memref<1x512x768xf32, #tpu.memory_space<any>>
    %dma_start3A_27 = tpu.memref_squeeze %dma_start3A_26 : memref<1x512x768xf32, #tpu.memory_space<any>> -> memref<512x768xf32, #tpu.memory_space<any>>
    %dma_start3A_28 = arith.constant 512 : i32
    %dma_start3A_29 = arith.constant 0 : i32
    %dma_start3A_30 = tpu.memref_slice %arg0[%dma_start3A_28, %dma_start3A_29] : memref<1024x768xf32, #tpu.memory_space<vmem>> -> memref<512x768xf32, #tpu.memory_space<vmem>>
    tpu.enqueue_dma source(%dma_start3A_30 : memref<512x768xf32, #tpu.memory_space<vmem>>) target(%dma_start3A_27 : memref<512x768xf32, #tpu.memory_space<any>>) target_semaphore(%arg3 : memref<!tpu.dma_semaphore, #tpu.memory_space<semaphore_mem>>)
    %dma_start3A_31 = arith.constant 2 : i32
    %dma_start3A_32 = arith.constant 0 : i32
    %dma_start3A_33 = arith.constant 0 : i32
    %dma_start3A_34 = tpu.memref_slice %arg1[%dma_start3A_31, %dma_start3A_32, %dma_start3A_33] : memref<32x1024x768xf32, #tpu.memory_space<any>> -> memref<1x512x768xf32, #tpu.memory_space<any>>
    %dma_start3A_35 = tpu.memref_squeeze %dma_start3A_34 : memref<1x512x768xf32, #tpu.memory_space<any>> -> memref<512x768xf32, #tpu.memory_space<any>>
    %dma_start3A_36 = arith.constant 0 : i32
    %dma_start3A_37 = arith.constant 0 : i32
    %dma_start3A_38 = tpu.memref_slice %arg0[%dma_start3A_36, %dma_start3A_37] : memref<1024x768xf32, #tpu.memory_space<vmem>> -> memref<512x768xf32, #tpu.memory_space<vmem>>
    tpu.enqueue_dma source(%dma_start3A_38 : memref<512x768xf32, #tpu.memory_space<vmem>>) target(%dma_start3A_35 : memref<512x768xf32, #tpu.memory_space<any>>) target_semaphore(%arg2 : memref<!tpu.dma_semaphore, #tpu.memory_space<semaphore_mem>>)
    %dma_start3A_39 = arith.constant 2 : i32
    %dma_start3A_40 = arith.constant 512 : i32
    %dma_start3A_41 = arith.constant 0 : i32
    %dma_start3A_42 = tpu.memref_slice %arg1[%dma_start3A_39, %dma_start3A_40, %dma_start3A_41] : memref<32x1024x768xf32, #tpu.memory_space<any>> -> memref<1x512x768xf32, #tpu.memory_space<any>>
    %dma_start3A_43 = tpu.memref_squeeze %dma_start3A_42 : memref<1x512x768xf32, #tpu.memory_space<any>> -> memref<512x768xf32, #tpu.memory_space<any>>
    %dma_start3A_44 = arith.constant 512 : i32
    %dma_start3A_45 = arith.constant 0 : i32
    %dma_start3A_46 = tpu.memref_slice %arg0[%dma_start3A_44, %dma_start3A_45] : memref<1024x768xf32, #tpu.memory_space<vmem>> -> memref<512x768xf32, #tpu.memory_space<vmem>>
    tpu.enqueue_dma source(%dma_start3A_46 : memref<512x768xf32, #tpu.memory_space<vmem>>) target(%dma_start3A_43 : memref<512x768xf32, #tpu.memory_space<any>>) target_semaphore(%arg3 : memref<!tpu.dma_semaphore, #tpu.memory_space<semaphore_mem>>)
    %dma_start3A_47 = arith.constant 3 : i32
    %dma_start3A_48 = arith.constant 0 : i32
    %dma_start3A_49 = arith.constant 0 : i32
    %dma_start3A_50 = tpu.memref_slice %arg1[%dma_start3A_47, %dma_start3A_48, %dma_start3A_49] : memref<32x1024x768xf32, #tpu.memory_space<any>> -> memref<1x512x768xf32, #tpu.memory_space<any>>
    %dma_start3A_51 = tpu.memref_squeeze %dma_start3A_50 : memref<1x512x768xf32, #tpu.memory_space<any>> -> memref<512x768xf32, #tpu.memory_space<any>>
    %dma_start3A_52 = arith.constant 0 : i32
    %dma_start3A_53 = arith.constant 0 : i32
    %dma_start3A_54 = tpu.memref_slice %arg0[%dma_start3A_52, %dma_start3A_53] : memref<1024x768xf32, #tpu.memory_space<vmem>> -> memref<512x768xf32, #tpu.memory_space<vmem>>
    tpu.enqueue_dma source(%dma_start3A_54 : memref<512x768xf32, #tpu.memory_space<vmem>>) target(%dma_start3A_51 : memref<512x768xf32, #tpu.memory_space<any>>) target_semaphore(%arg2 : memref<!tpu.dma_semaphore, #tpu.memory_space<semaphore_mem>>)
    %dma_start3A_55 = arith.constant 3 : i32
    %dma_start3A_56 = arith.constant 512 : i32
    %dma_start3A_57 = arith.constant 0 : i32
    %dma_start3A_58 = tpu.memref_slice %arg1[%dma_start3A_55, %dma_start3A_56, %dma_start3A_57] : memref<32x1024x768xf32, #tpu.memory_space<any>> -> memref<1x512x768xf32, #tpu.memory_space<any>>
    %dma_start3A_59 = tpu.memref_squeeze %dma_start3A_58 : memref<1x512x768xf32, #tpu.memory_space<any>> -> memref<512x768xf32, #tpu.memory_space<any>>
    %dma_start3A_60 = arith.constant 512 : i32
    %dma_start3A_61 = arith.constant 0 : i32
    %dma_start3A_62 = tpu.memref_slice %arg0[%dma_start3A_60, %dma_start3A_61] : memref<1024x768xf32, #tpu.memory_space<vmem>> -> memref<512x768xf32, #tpu.memory_space<vmem>>
    tpu.enqueue_dma source(%dma_start3A_62 : memref<512x768xf32, #tpu.memory_space<vmem>>) target(%dma_start3A_59 : memref<512x768xf32, #tpu.memory_space<any>>) target_semaphore(%arg3 : memref<!tpu.dma_semaphore, #tpu.memory_space<semaphore_mem>>)
    %dma_start3A_63 = arith.constant 4 : i32
    %dma_start3A_64 = arith.constant 0 : i32
    %dma_start3A_65 = arith.constant 0 : i32
    %dma_start3A_66 = tpu.memref_slice %arg1[%dma_start3A_63, %dma_start3A_64, %dma_start3A_65] : memref<32x1024x768xf32, #tpu.memory_space<any>> -> memref<1x512x768xf32, #tpu.memory_space<any>>
    %dma_start3A_67 = tpu.memref_squeeze %dma_start3A_66 : memref<1x512x768xf32, #tpu.memory_space<any>> -> memref<512x768xf32, #tpu.memory_space<any>>
    %dma_start3A_68 = arith.constant 0 : i32
    %dma_start3A_69 = arith.constant 0 : i32
    %dma_start3A_70 = tpu.memref_slice %arg0[%dma_start3A_68, %dma_start3A_69] : memref<1024x768xf32, #tpu.memory_space<vmem>> -> memref<512x768xf32, #tpu.memory_space<vmem>>
    tpu.enqueue_dma source(%dma_start3A_70 : memref<512x768xf32, #tpu.memory_space<vmem>>) target(%dma_start3A_67 : memref<512x768xf32, #tpu.memory_space<any>>) target_semaphore(%arg2 : memref<!tpu.dma_semaphore, #tpu.memory_space<semaphore_mem>>)
    %dma_start3A_71 = arith.constant 4 : i32
    %dma_start3A_72 = arith.constant 512 : i32
    %dma_start3A_73 = arith.constant 0 : i32
    %dma_start3A_74 = tpu.memref_slice %arg1[%dma_start3A_71, %dma_start3A_72, %dma_start3A_73] : memref<32x1024x768xf32, #tpu.memory_space<any>> -> memref<1x512x768xf32, #tpu.memory_space<any>>
    %dma_start3A_75 = tpu.memref_squeeze %dma_start3A_74 : memref<1x512x768xf32, #tpu.memory_space<any>> -> memref<512x768xf32, #tpu.memory_space<any>>
    %dma_start3A_76 = arith.constant 512 : i32
    %dma_start3A_77 = arith.constant 0 : i32
    %dma_start3A_78 = tpu.memref_slice %arg0[%dma_start3A_76, %dma_start3A_77] : memref<1024x768xf32, #tpu.memory_space<vmem>> -> memref<512x768xf32, #tpu.memory_space<vmem>>
    tpu.enqueue_dma source(%dma_start3A_78 : memref<512x768xf32, #tpu.memory_space<vmem>>) target(%dma_start3A_75 : memref<512x768xf32, #tpu.memory_space<any>>) target_semaphore(%arg3 : memref<!tpu.dma_semaphore, #tpu.memory_space<semaphore_mem>>)
    %dma_start3A_79 = arith.constant 5 : i32
    %dma_start3A_80 = arith.constant 0 : i32
    %dma_start3A_81 = arith.constant 0 : i32
    %dma_start3A_82 = tpu.memref_slice %arg1[%dma_start3A_79, %dma_start3A_80, %dma_start3A_81] : memref<32x1024x768xf32, #tpu.memory_space<any>> -> memref<1x512x768xf32, #tpu.memory_space<any>>
    %dma_start3A_83 = tpu.memref_squeeze %dma_start3A_82 : memref<1x512x768xf32, #tpu.memory_space<any>> -> memref<512x768xf32, #tpu.memory_space<any>>
    %dma_start3A_84 = arith.constant 0 : i32
    %dma_start3A_85 = arith.constant 0 : i32
    %dma_start3A_86 = tpu.memref_slice %arg0[%dma_start3A_84, %dma_start3A_85] : memref<1024x768xf32, #tpu.memory_space<vmem>> -> memref<512x768xf32, #tpu.memory_space<vmem>>
    tpu.enqueue_dma source(%dma_start3A_86 : memref<512x768xf32, #tpu.memory_space<vmem>>) target(%dma_start3A_83 : memref<512x768xf32, #tpu.memory_space<any>>) target_semaphore(%arg2 : memref<!tpu.dma_semaphore, #tpu.memory_space<semaphore_mem>>)
    %dma_start3A_87 = arith.constant 5 : i32
    %dma_start3A_88 = arith.constant 512 : i32
    %dma_start3A_89 = arith.constant 0 : i32
    %dma_start3A_90 = tpu.memref_slice %arg1[%dma_start3A_87, %dma_start3A_88, %dma_start3A_89] : memref<32x1024x768xf32, #tpu.memory_space<any>> -> memref<1x512x768xf32, #tpu.memory_space<any>>
    %dma_start3A_91 = tpu.memref_squeeze %dma_start3A_90 : memref<1x512x768xf32, #tpu.memory_space<any>> -> memref<512x768xf32, #tpu.memory_space<any>>
    %dma_start3A_92 = arith.constant 512 : i32
    %dma_start3A_93 = arith.constant 0 : i32
    %dma_start3A_94 = tpu.memref_slice %arg0[%dma_start3A_92, %dma_start3A_93] : memref<1024x768xf32, #tpu.memory_space<vmem>> -> memref<512x768xf32, #tpu.memory_space<vmem>>
    tpu.enqueue_dma source(%dma_start3A_94 : memref<512x768xf32, #tpu.memory_space<vmem>>) target(%dma_start3A_91 : memref<512x768xf32, #tpu.memory_space<any>>) target_semaphore(%arg3 : memref<!tpu.dma_semaphore, #tpu.memory_space<semaphore_mem>>)
    %dma_start3A_95 = arith.constant 6 : i32
    %dma_start3A_96 = arith.constant 0 : i32
    %dma_start3A_97 = arith.constant 0 : i32
    %dma_start3A_98 = tpu.memref_slice %arg1[%dma_start3A_95, %dma_start3A_96, %dma_start3A_97] : memref<32x1024x768xf32, #tpu.memory_space<any>> -> memref<1x512x768xf32, #tpu.memory_space<any>>
    %dma_start3A_99 = tpu.memref_squeeze %dma_start3A_98 : memref<1x512x768xf32, #tpu.memory_space<any>> -> memref<512x768xf32, #tpu.memory_space<any>>
    %dma_start3A_100 = arith.constant 0 : i32
    %dma_start3A_101 = arith.constant 0 : i32
    %dma_start3A_102 = tpu.memref_slice %arg0[%dma_start3A_100, %dma_start3A_101] : memref<1024x768xf32, #tpu.memory_space<vmem>> -> memref<512x768xf32, #tpu.memory_space<vmem>>
    tpu.enqueue_dma source(%dma_start3A_102 : memref<512x768xf32, #tpu.memory_space<vmem>>) target(%dma_start3A_99 : memref<512x768xf32, #tpu.memory_space<any>>) target_semaphore(%arg2 : memref<!tpu.dma_semaphore, #tpu.memory_space<semaphore_mem>>)
    %dma_start3A_103 = arith.constant 6 : i32
    %dma_start3A_104 = arith.constant 512 : i32
    %dma_start3A_105 = arith.constant 0 : i32
    %dma_start3A_106 = tpu.memref_slice %arg1[%dma_start3A_103, %dma_start3A_104, %dma_start3A_105] : memref<32x1024x768xf32, #tpu.memory_space<any>> -> memref<1x512x768xf32, #tpu.memory_space<any>>
    %dma_start3A_107 = tpu.memref_squeeze %dma_start3A_106 : memref<1x512x768xf32, #tpu.memory_space<any>> -> memref<512x768xf32, #tpu.memory_space<any>>
    %dma_start3A_108 = arith.constant 512 : i32
    %dma_start3A_109 = arith.constant 0 : i32
    %dma_start3A_110 = tpu.memref_slice %arg0[%dma_start3A_108, %dma_start3A_109] : memref<1024x768xf32, #tpu.memory_space<vmem>> -> memref<512x768xf32, #tpu.memory_space<vmem>>
    tpu.enqueue_dma source(%dma_start3A_110 : memref<512x768xf32, #tpu.memory_space<vmem>>) target(%dma_start3A_107 : memref<512x768xf32, #tpu.memory_space<any>>) target_semaphore(%arg3 : memref<!tpu.dma_semaphore, #tpu.memory_space<semaphore_mem>>)
    %dma_start3A_111 = arith.constant 7 : i32
    %dma_start3A_112 = arith.constant 0 : i32
    %dma_start3A_113 = arith.constant 0 : i32
    %dma_start3A_114 = tpu.memref_slice %arg1[%dma_start3A_111, %dma_start3A_112, %dma_start3A_113] : memref<32x1024x768xf32, #tpu.memory_space<any>> -> memref<1x512x768xf32, #tpu.memory_space<any>>
    %dma_start3A_115 = tpu.memref_squeeze %dma_start3A_114 : memref<1x512x768xf32, #tpu.memory_space<any>> -> memref<512x768xf32, #tpu.memory_space<any>>
    %dma_start3A_116 = arith.constant 0 : i32
    %dma_start3A_117 = arith.constant 0 : i32
    %dma_start3A_118 = tpu.memref_slice %arg0[%dma_start3A_116, %dma_start3A_117] : memref<1024x768xf32, #tpu.memory_space<vmem>> -> memref<512x768xf32, #tpu.memory_space<vmem>>
    tpu.enqueue_dma source(%dma_start3A_118 : memref<512x768xf32, #tpu.memory_space<vmem>>) target(%dma_start3A_115 : memref<512x768xf32, #tpu.memory_space<any>>) target_semaphore(%arg2 : memref<!tpu.dma_semaphore, #tpu.memory_space<semaphore_mem>>)
    %dma_start3A_119 = arith.constant 7 : i32
    %dma_start3A_120 = arith.constant 512 : i32
    %dma_start3A_121 = arith.constant 0 : i32
    %dma_start3A_122 = tpu.memref_slice %arg1[%dma_start3A_119, %dma_start3A_120, %dma_start3A_121] : memref<32x1024x768xf32, #tpu.memory_space<any>> -> memref<1x512x768xf32, #tpu.memory_space<any>>
    %dma_start3A_123 = tpu.memref_squeeze %dma_start3A_122 : memref<1x512x768xf32, #tpu.memory_space<any>> -> memref<512x768xf32, #tpu.memory_space<any>>
    %dma_start3A_124 = arith.constant 512 : i32
    %dma_start3A_125 = arith.constant 0 : i32
    %dma_start3A_126 = tpu.memref_slice %arg0[%dma_start3A_124, %dma_start3A_125] : memref<1024x768xf32, #tpu.memory_space<vmem>> -> memref<512x768xf32, #tpu.memory_space<vmem>>
    tpu.enqueue_dma source(%dma_start3A_126 : memref<512x768xf32, #tpu.memory_space<vmem>>) target(%dma_start3A_123 : memref<512x768xf32, #tpu.memory_space<any>>) target_semaphore(%arg3 : memref<!tpu.dma_semaphore, #tpu.memory_space<semaphore_mem>>)
    %dma_start3A_127 = arith.constant 8 : i32
    %dma_start3A_128 = arith.constant 0 : i32
    %dma_start3A_129 = arith.constant 0 : i32
    %dma_start3A_130 = tpu.memref_slice %arg1[%dma_start3A_127, %dma_start3A_128, %dma_start3A_129] : memref<32x1024x768xf32, #tpu.memory_space<any>> -> memref<1x512x768xf32, #tpu.memory_space<any>>
    %dma_start3A_131 = tpu.memref_squeeze %dma_start3A_130 : memref<1x512x768xf32, #tpu.memory_space<any>> -> memref<512x768xf32, #tpu.memory_space<any>>
    %dma_start3A_132 = arith.constant 0 : i32
    %dma_start3A_133 = arith.constant 0 : i32
    %dma_start3A_134 = tpu.memref_slice %arg0[%dma_start3A_132, %dma_start3A_133] : memref<1024x768xf32, #tpu.memory_space<vmem>> -> memref<512x768xf32, #tpu.memory_space<vmem>>
    tpu.enqueue_dma source(%dma_start3A_134 : memref<512x768xf32, #tpu.memory_space<vmem>>) target(%dma_start3A_131 : memref<512x768xf32, #tpu.memory_space<any>>) target_semaphore(%arg2 : memref<!tpu.dma_semaphore, #tpu.memory_space<semaphore_mem>>)
    %dma_start3A_135 = arith.constant 8 : i32
    %dma_start3A_136 = arith.constant 512 : i32
    %dma_start3A_137 = arith.constant 0 : i32
    %dma_start3A_138 = tpu.memref_slice %arg1[%dma_start3A_135, %dma_start3A_136, %dma_start3A_137] : memref<32x1024x768xf32, #tpu.memory_space<any>> -> memref<1x512x768xf32, #tpu.memory_space<any>>
    %dma_start3A_139 = tpu.memref_squeeze %dma_start3A_138 : memref<1x512x768xf32, #tpu.memory_space<any>> -> memref<512x768xf32, #tpu.memory_space<any>>
    %dma_start3A_140 = arith.constant 512 : i32
    %dma_start3A_141 = arith.constant 0 : i32
    %dma_start3A_142 = tpu.memref_slice %arg0[%dma_start3A_140, %dma_start3A_141] : memref<1024x768xf32, #tpu.memory_space<vmem>> -> memref<512x768xf32, #tpu.memory_space<vmem>>
    tpu.enqueue_dma source(%dma_start3A_142 : memref<512x768xf32, #tpu.memory_space<vmem>>) target(%dma_start3A_139 : memref<512x768xf32, #tpu.memory_space<any>>) target_semaphore(%arg3 : memref<!tpu.dma_semaphore, #tpu.memory_space<semaphore_mem>>)
    %dma_start3A_143 = arith.constant 9 : i32
    %dma_start3A_144 = arith.constant 0 : i32
    %dma_start3A_145 = arith.constant 0 : i32
    %dma_start3A_146 = tpu.memref_slice %arg1[%dma_start3A_143, %dma_start3A_144, %dma_start3A_145] : memref<32x1024x768xf32, #tpu.memory_space<any>> -> memref<1x512x768xf32, #tpu.memory_space<any>>
    %dma_start3A_147 = tpu.memref_squeeze %dma_start3A_146 : memref<1x512x768xf32, #tpu.memory_space<any>> -> memref<512x768xf32, #tpu.memory_space<any>>
    %dma_start3A_148 = arith.constant 0 : i32
    %dma_start3A_149 = arith.constant 0 : i32
    %dma_start3A_150 = tpu.memref_slice %arg0[%dma_start3A_148, %dma_start3A_149] : memref<1024x768xf32, #tpu.memory_space<vmem>> -> memref<512x768xf32, #tpu.memory_space<vmem>>
    tpu.enqueue_dma source(%dma_start3A_150 : memref<512x768xf32, #tpu.memory_space<vmem>>) target(%dma_start3A_147 : memref<512x768xf32, #tpu.memory_space<any>>) target_semaphore(%arg2 : memref<!tpu.dma_semaphore, #tpu.memory_space<semaphore_mem>>)
    %dma_start3A_151 = arith.constant 9 : i32
    %dma_start3A_152 = arith.constant 512 : i32
    %dma_start3A_153 = arith.constant 0 : i32
    %dma_start3A_154 = tpu.memref_slice %arg1[%dma_start3A_151, %dma_start3A_152, %dma_start3A_153] : memref<32x1024x768xf32, #tpu.memory_space<any>> -> memref<1x512x768xf32, #tpu.memory_space<any>>
    %dma_start3A_155 = tpu.memref_squeeze %dma_start3A_154 : memref<1x512x768xf32, #tpu.memory_space<any>> -> memref<512x768xf32, #tpu.memory_space<any>>
    %dma_start3A_156 = arith.constant 512 : i32
    %dma_start3A_157 = arith.constant 0 : i32
    %dma_start3A_158 = tpu.memref_slice %arg0[%dma_start3A_156, %dma_start3A_157] : memref<1024x768xf32, #tpu.memory_space<vmem>> -> memref<512x768xf32, #tpu.memory_space<vmem>>
    tpu.enqueue_dma source(%dma_start3A_158 : memref<512x768xf32, #tpu.memory_space<vmem>>) target(%dma_start3A_155 : memref<512x768xf32, #tpu.memory_space<any>>) target_semaphore(%arg3 : memref<!tpu.dma_semaphore, #tpu.memory_space<semaphore_mem>>)
    %dma_start3A_159 = arith.constant 10 : i32
    %dma_start3A_160 = arith.constant 0 : i32
    %dma_start3A_161 = arith.constant 0 : i32
    %dma_start3A_162 = tpu.memref_slice %arg1[%dma_start3A_159, %dma_start3A_160, %dma_start3A_161] : memref<32x1024x768xf32, #tpu.memory_space<any>> -> memref<1x512x768xf32, #tpu.memory_space<any>>
    %dma_start3A_163 = tpu.memref_squeeze %dma_start3A_162 : memref<1x512x768xf32, #tpu.memory_space<any>> -> memref<512x768xf32, #tpu.memory_space<any>>
    %dma_start3A_164 = arith.constant 0 : i32
    %dma_start3A_165 = arith.constant 0 : i32
    %dma_start3A_166 = tpu.memref_slice %arg0[%dma_start3A_164, %dma_start3A_165] : memref<1024x768xf32, #tpu.memory_space<vmem>> -> memref<512x768xf32, #tpu.memory_space<vmem>>
    tpu.enqueue_dma source(%dma_start3A_166 : memref<512x768xf32, #tpu.memory_space<vmem>>) target(%dma_start3A_163 : memref<512x768xf32, #tpu.memory_space<any>>) target_semaphore(%arg2 : memref<!tpu.dma_semaphore, #tpu.memory_space<semaphore_mem>>)
    %dma_start3A_167 = arith.constant 10 : i32
    %dma_start3A_168 = arith.constant 512 : i32
    %dma_start3A_169 = arith.constant 0 : i32
    %dma_start3A_170 = tpu.memref_slice %arg1[%dma_start3A_167, %dma_start3A_168, %dma_start3A_169] : memref<32x1024x768xf32, #tpu.memory_space<any>> -> memref<1x512x768xf32, #tpu.memory_space<any>>
    %dma_start3A_171 = tpu.memref_squeeze %dma_start3A_170 : memref<1x512x768xf32, #tpu.memory_space<any>> -> memref<512x768xf32, #tpu.memory_space<any>>
    %dma_start3A_172 = arith.constant 512 : i32
    %dma_start3A_173 = arith.constant 0 : i32
    %dma_start3A_174 = tpu.memref_slice %arg0[%dma_start3A_172, %dma_start3A_173] : memref<1024x768xf32, #tpu.memory_space<vmem>> -> memref<512x768xf32, #tpu.memory_space<vmem>>
    tpu.enqueue_dma source(%dma_start3A_174 : memref<512x768xf32, #tpu.memory_space<vmem>>) target(%dma_start3A_171 : memref<512x768xf32, #tpu.memory_space<any>>) target_semaphore(%arg3 : memref<!tpu.dma_semaphore, #tpu.memory_space<semaphore_mem>>)
    %dma_start3A_175 = arith.constant 11 : i32
    %dma_start3A_176 = arith.constant 0 : i32
    %dma_start3A_177 = arith.constant 0 : i32
    %dma_start3A_178 = tpu.memref_slice %arg1[%dma_start3A_175, %dma_start3A_176, %dma_start3A_177] : memref<32x1024x768xf32, #tpu.memory_space<any>> -> memref<1x512x768xf32, #tpu.memory_space<any>>
    %dma_start3A_179 = tpu.memref_squeeze %dma_start3A_178 : memref<1x512x768xf32, #tpu.memory_space<any>> -> memref<512x768xf32, #tpu.memory_space<any>>
    %dma_start3A_180 = arith.constant 0 : i32
    %dma_start3A_181 = arith.constant 0 : i32
    %dma_start3A_182 = tpu.memref_slice %arg0[%dma_start3A_180, %dma_start3A_181] : memref<1024x768xf32, #tpu.memory_space<vmem>> -> memref<512x768xf32, #tpu.memory_space<vmem>>
    tpu.enqueue_dma source(%dma_start3A_182 : memref<512x768xf32, #tpu.memory_space<vmem>>) target(%dma_start3A_179 : memref<512x768xf32, #tpu.memory_space<any>>) target_semaphore(%arg2 : memref<!tpu.dma_semaphore, #tpu.memory_space<semaphore_mem>>)
    %dma_start3A_183 = arith.constant 11 : i32
    %dma_start3A_184 = arith.constant 512 : i32
    %dma_start3A_185 = arith.constant 0 : i32
    %dma_start3A_186 = tpu.memref_slice %arg1[%dma_start3A_183, %dma_start3A_184, %dma_start3A_185] : memref<32x1024x768xf32, #tpu.memory_space<any>> -> memref<1x512x768xf32, #tpu.memory_space<any>>
    %dma_start3A_187 = tpu.memref_squeeze %dma_start3A_186 : memref<1x512x768xf32, #tpu.memory_space<any>> -> memref<512x768xf32, #tpu.memory_space<any>>
    %dma_start3A_188 = arith.constant 512 : i32
    %dma_start3A_189 = arith.constant 0 : i32
    %dma_start3A_190 = tpu.memref_slice %arg0[%dma_start3A_188, %dma_start3A_189] : memref<1024x768xf32, #tpu.memory_space<vmem>> -> memref<512x768xf32, #tpu.memory_space<vmem>>
    tpu.enqueue_dma source(%dma_start3A_190 : memref<512x768xf32, #tpu.memory_space<vmem>>) target(%dma_start3A_187 : memref<512x768xf32, #tpu.memory_space<any>>) target_semaphore(%arg3 : memref<!tpu.dma_semaphore, #tpu.memory_space<semaphore_mem>>)
    %dma_start3A_191 = arith.constant 12 : i32
    %dma_start3A_192 = arith.constant 0 : i32
    %dma_start3A_193 = arith.constant 0 : i32
    %dma_start3A_194 = tpu.memref_slice %arg1[%dma_start3A_191, %dma_start3A_192, %dma_start3A_193] : memref<32x1024x768xf32, #tpu.memory_space<any>> -> memref<1x512x768xf32, #tpu.memory_space<any>>
    %dma_start3A_195 = tpu.memref_squeeze %dma_start3A_194 : memref<1x512x768xf32, #tpu.memory_space<any>> -> memref<512x768xf32, #tpu.memory_space<any>>
    %dma_start3A_196 = arith.constant 0 : i32
    %dma_start3A_197 = arith.constant 0 : i32
    %dma_start3A_198 = tpu.memref_slice %arg0[%dma_start3A_196, %dma_start3A_197] : memref<1024x768xf32, #tpu.memory_space<vmem>> -> memref<512x768xf32, #tpu.memory_space<vmem>>
    tpu.enqueue_dma source(%dma_start3A_198 : memref<512x768xf32, #tpu.memory_space<vmem>>) target(%dma_start3A_195 : memref<512x768xf32, #tpu.memory_space<any>>) target_semaphore(%arg2 : memref<!tpu.dma_semaphore, #tpu.memory_space<semaphore_mem>>)
    %dma_start3A_199 = arith.constant 12 : i32
    %dma_start3A_200 = arith.constant 512 : i32
    %dma_start3A_201 = arith.constant 0 : i32
    %dma_start3A_202 = tpu.memref_slice %arg1[%dma_start3A_199, %dma_start3A_200, %dma_start3A_201] : memref<32x1024x768xf32, #tpu.memory_space<any>> -> memref<1x512x768xf32, #tpu.memory_space<any>>
    %dma_start3A_203 = tpu.memref_squeeze %dma_start3A_202 : memref<1x512x768xf32, #tpu.memory_space<any>> -> memref<512x768xf32, #tpu.memory_space<any>>
    %dma_start3A_204 = arith.constant 512 : i32
    %dma_start3A_205 = arith.constant 0 : i32
    %dma_start3A_206 = tpu.memref_slice %arg0[%dma_start3A_204, %dma_start3A_205] : memref<1024x768xf32, #tpu.memory_space<vmem>> -> memref<512x768xf32, #tpu.memory_space<vmem>>
    tpu.enqueue_dma source(%dma_start3A_206 : memref<512x768xf32, #tpu.memory_space<vmem>>) target(%dma_start3A_203 : memref<512x768xf32, #tpu.memory_space<any>>) target_semaphore(%arg3 : memref<!tpu.dma_semaphore, #tpu.memory_space<semaphore_mem>>)
    %dma_start3A_207 = arith.constant 13 : i32
    %dma_start3A_208 = arith.constant 0 : i32
    %dma_start3A_209 = arith.constant 0 : i32
    %dma_start3A_210 = tpu.memref_slice %arg1[%dma_start3A_207, %dma_start3A_208, %dma_start3A_209] : memref<32x1024x768xf32, #tpu.memory_space<any>> -> memref<1x512x768xf32, #tpu.memory_space<any>>
    %dma_start3A_211 = tpu.memref_squeeze %dma_start3A_210 : memref<1x512x768xf32, #tpu.memory_space<any>> -> memref<512x768xf32, #tpu.memory_space<any>>
    %dma_start3A_212 = arith.constant 0 : i32
    %dma_start3A_213 = arith.constant 0 : i32
    %dma_start3A_214 = tpu.memref_slice %arg0[%dma_start3A_212, %dma_start3A_213] : memref<1024x768xf32, #tpu.memory_space<vmem>> -> memref<512x768xf32, #tpu.memory_space<vmem>>
    tpu.enqueue_dma source(%dma_start3A_214 : memref<512x768xf32, #tpu.memory_space<vmem>>) target(%dma_start3A_211 : memref<512x768xf32, #tpu.memory_space<any>>) target_semaphore(%arg2 : memref<!tpu.dma_semaphore, #tpu.memory_space<semaphore_mem>>)
    %dma_start3A_215 = arith.constant 13 : i32
    %dma_start3A_216 = arith.constant 512 : i32
    %dma_start3A_217 = arith.constant 0 : i32
    %dma_start3A_218 = tpu.memref_slice %arg1[%dma_start3A_215, %dma_start3A_216, %dma_start3A_217] : memref<32x1024x768xf32, #tpu.memory_space<any>> -> memref<1x512x768xf32, #tpu.memory_space<any>>
    %dma_start3A_219 = tpu.memref_squeeze %dma_start3A_218 : memref<1x512x768xf32, #tpu.memory_space<any>> -> memref<512x768xf32, #tpu.memory_space<any>>
    %dma_start3A_220 = arith.constant 512 : i32
    %dma_start3A_221 = arith.constant 0 : i32
    %dma_start3A_222 = tpu.memref_slice %arg0[%dma_start3A_220, %dma_start3A_221] : memref<1024x768xf32, #tpu.memory_space<vmem>> -> memref<512x768xf32, #tpu.memory_space<vmem>>
    tpu.enqueue_dma source(%dma_start3A_222 : memref<512x768xf32, #tpu.memory_space<vmem>>) target(%dma_start3A_219 : memref<512x768xf32, #tpu.memory_space<any>>) target_semaphore(%arg3 : memref<!tpu.dma_semaphore, #tpu.memory_space<semaphore_mem>>)
    %dma_start3A_223 = arith.constant 14 : i32
    %dma_start3A_224 = arith.constant 0 : i32
    %dma_start3A_225 = arith.constant 0 : i32
    %dma_start3A_226 = tpu.memref_slice %arg1[%dma_start3A_223, %dma_start3A_224, %dma_start3A_225] : memref<32x1024x768xf32, #tpu.memory_space<any>> -> memref<1x512x768xf32, #tpu.memory_space<any>>
    %dma_start3A_227 = tpu.memref_squeeze %dma_start3A_226 : memref<1x512x768xf32, #tpu.memory_space<any>> -> memref<512x768xf32, #tpu.memory_space<any>>
    %dma_start3A_228 = arith.constant 0 : i32
    %dma_start3A_229 = arith.constant 0 : i32
    %dma_start3A_230 = tpu.memref_slice %arg0[%dma_start3A_228, %dma_start3A_229] : memref<1024x768xf32, #tpu.memory_space<vmem>> -> memref<512x768xf32, #tpu.memory_space<vmem>>
    tpu.enqueue_dma source(%dma_start3A_230 : memref<512x768xf32, #tpu.memory_space<vmem>>) target(%dma_start3A_227 : memref<512x768xf32, #tpu.memory_space<any>>) target_semaphore(%arg2 : memref<!tpu.dma_semaphore, #tpu.memory_space<semaphore_mem>>)
    %dma_start3A_231 = arith.constant 14 : i32
    %dma_start3A_232 = arith.constant 512 : i32
    %dma_start3A_233 = arith.constant 0 : i32
    %dma_start3A_234 = tpu.memref_slice %arg1[%dma_start3A_231, %dma_start3A_232, %dma_start3A_233] : memref<32x1024x768xf32, #tpu.memory_space<any>> -> memref<1x512x768xf32, #tpu.memory_space<any>>
    %dma_start3A_235 = tpu.memref_squeeze %dma_start3A_234 : memref<1x512x768xf32, #tpu.memory_space<any>> -> memref<512x768xf32, #tpu.memory_space<any>>
    %dma_start3A_236 = arith.constant 512 : i32
    %dma_start3A_237 = arith.constant 0 : i32
    %dma_start3A_238 = tpu.memref_slice %arg0[%dma_start3A_236, %dma_start3A_237] : memref<1024x768xf32, #tpu.memory_space<vmem>> -> memref<512x768xf32, #tpu.memory_space<vmem>>
    tpu.enqueue_dma source(%dma_start3A_238 : memref<512x768xf32, #tpu.memory_space<vmem>>) target(%dma_start3A_235 : memref<512x768xf32, #tpu.memory_space<any>>) target_semaphore(%arg3 : memref<!tpu.dma_semaphore, #tpu.memory_space<semaphore_mem>>)
    %dma_start3A_239 = arith.constant 15 : i32
    %dma_start3A_240 = arith.constant 0 : i32
    %dma_start3A_241 = arith.constant 0 : i32
    %dma_start3A_242 = tpu.memref_slice %arg1[%dma_start3A_239, %dma_start3A_240, %dma_start3A_241] : memref<32x1024x768xf32, #tpu.memory_space<any>> -> memref<1x512x768xf32, #tpu.memory_space<any>>
    %dma_start3A_243 = tpu.memref_squeeze %dma_start3A_242 : memref<1x512x768xf32, #tpu.memory_space<any>> -> memref<512x768xf32, #tpu.memory_space<any>>
    %dma_start3A_244 = arith.constant 0 : i32
    %dma_start3A_245 = arith.constant 0 : i32
    %dma_start3A_246 = tpu.memref_slice %arg0[%dma_start3A_244, %dma_start3A_245] : memref<1024x768xf32, #tpu.memory_space<vmem>> -> memref<512x768xf32, #tpu.memory_space<vmem>>
    tpu.enqueue_dma source(%dma_start3A_246 : memref<512x768xf32, #tpu.memory_space<vmem>>) target(%dma_start3A_243 : memref<512x768xf32, #tpu.memory_space<any>>) target_semaphore(%arg2 : memref<!tpu.dma_semaphore, #tpu.memory_space<semaphore_mem>>)
    %dma_start3A_247 = arith.constant 15 : i32
    %dma_start3A_248 = arith.constant 512 : i32
    %dma_start3A_249 = arith.constant 0 : i32
    %dma_start3A_250 = tpu.memref_slice %arg1[%dma_start3A_247, %dma_start3A_248, %dma_start3A_249] : memref<32x1024x768xf32, #tpu.memory_space<any>> -> memref<1x512x768xf32, #tpu.memory_space<any>>
    %dma_start3A_251 = tpu.memref_squeeze %dma_start3A_250 : memref<1x512x768xf32, #tpu.memory_space<any>> -> memref<512x768xf32, #tpu.memory_space<any>>
    %dma_start3A_252 = arith.constant 512 : i32
    %dma_start3A_253 = arith.constant 0 : i32
    %dma_start3A_254 = tpu.memref_slice %arg0[%dma_start3A_252, %dma_start3A_253] : memref<1024x768xf32, #tpu.memory_space<vmem>> -> memref<512x768xf32, #tpu.memory_space<vmem>>
    tpu.enqueue_dma source(%dma_start3A_254 : memref<512x768xf32, #tpu.memory_space<vmem>>) target(%dma_start3A_251 : memref<512x768xf32, #tpu.memory_space<any>>) target_semaphore(%arg3 : memref<!tpu.dma_semaphore, #tpu.memory_space<semaphore_mem>>)
    %dma_start3A_255 = arith.constant 16 : i32
    %dma_start3A_256 = arith.constant 0 : i32
    %dma_start3A_257 = arith.constant 0 : i32
    %dma_start3A_258 = tpu.memref_slice %arg1[%dma_start3A_255, %dma_start3A_256, %dma_start3A_257] : memref<32x1024x768xf32, #tpu.memory_space<any>> -> memref<1x512x768xf32, #tpu.memory_space<any>>
    %dma_start3A_259 = tpu.memref_squeeze %dma_start3A_258 : memref<1x512x768xf32, #tpu.memory_space<any>> -> memref<512x768xf32, #tpu.memory_space<any>>
    %dma_start3A_260 = arith.constant 0 : i32
    %dma_start3A_261 = arith.constant 0 : i32
    %dma_start3A_262 = tpu.memref_slice %arg0[%dma_start3A_260, %dma_start3A_261] : memref<1024x768xf32, #tpu.memory_space<vmem>> -> memref<512x768xf32, #tpu.memory_space<vmem>>
    tpu.enqueue_dma source(%dma_start3A_262 : memref<512x768xf32, #tpu.memory_space<vmem>>) target(%dma_start3A_259 : memref<512x768xf32, #tpu.memory_space<any>>) target_semaphore(%arg2 : memref<!tpu.dma_semaphore, #tpu.memory_space<semaphore_mem>>)
    %dma_start3A_263 = arith.constant 16 : i32
    %dma_start3A_264 = arith.constant 512 : i32
    %dma_start3A_265 = arith.constant 0 : i32
    %dma_start3A_266 = tpu.memref_slice %arg1[%dma_start3A_263, %dma_start3A_264, %dma_start3A_265] : memref<32x1024x768xf32, #tpu.memory_space<any>> -> memref<1x512x768xf32, #tpu.memory_space<any>>
    %dma_start3A_267 = tpu.memref_squeeze %dma_start3A_266 : memref<1x512x768xf32, #tpu.memory_space<any>> -> memref<512x768xf32, #tpu.memory_space<any>>
    %dma_start3A_268 = arith.constant 512 : i32
    %dma_start3A_269 = arith.constant 0 : i32
    %dma_start3A_270 = tpu.memref_slice %arg0[%dma_start3A_268, %dma_start3A_269] : memref<1024x768xf32, #tpu.memory_space<vmem>> -> memref<512x768xf32, #tpu.memory_space<vmem>>
    tpu.enqueue_dma source(%dma_start3A_270 : memref<512x768xf32, #tpu.memory_space<vmem>>) target(%dma_start3A_267 : memref<512x768xf32, #tpu.memory_space<any>>) target_semaphore(%arg3 : memref<!tpu.dma_semaphore, #tpu.memory_space<semaphore_mem>>)
    %dma_start3A_271 = arith.constant 17 : i32
    %dma_start3A_272 = arith.constant 0 : i32
    %dma_start3A_273 = arith.constant 0 : i32
    %dma_start3A_274 = tpu.memref_slice %arg1[%dma_start3A_271, %dma_start3A_272, %dma_start3A_273] : memref<32x1024x768xf32, #tpu.memory_space<any>> -> memref<1x512x768xf32, #tpu.memory_space<any>>
    %dma_start3A_275 = tpu.memref_squeeze %dma_start3A_274 : memref<1x512x768xf32, #tpu.memory_space<any>> -> memref<512x768xf32, #tpu.memory_space<any>>
    %dma_start3A_276 = arith.constant 0 : i32
    %dma_start3A_277 = arith.constant 0 : i32
    %dma_start3A_278 = tpu.memref_slice %arg0[%dma_start3A_276, %dma_start3A_277] : memref<1024x768xf32, #tpu.memory_space<vmem>> -> memref<512x768xf32, #tpu.memory_space<vmem>>
    tpu.enqueue_dma source(%dma_start3A_278 : memref<512x768xf32, #tpu.memory_space<vmem>>) target(%dma_start3A_275 : memref<512x768xf32, #tpu.memory_space<any>>) target_semaphore(%arg2 : memref<!tpu.dma_semaphore, #tpu.memory_space<semaphore_mem>>)
    %dma_start3A_279 = arith.constant 17 : i32
    %dma_start3A_280 = arith.constant 512 : i32
    %dma_start3A_281 = arith.constant 0 : i32
    %dma_start3A_282 = tpu.memref_slice %arg1[%dma_start3A_279, %dma_start3A_280, %dma_start3A_281] : memref<32x1024x768xf32, #tpu.memory_space<any>> -> memref<1x512x768xf32, #tpu.memory_space<any>>
    %dma_start3A_283 = tpu.memref_squeeze %dma_start3A_282 : memref<1x512x768xf32, #tpu.memory_space<any>> -> memref<512x768xf32, #tpu.memory_space<any>>
    %dma_start3A_284 = arith.constant 512 : i32
    %dma_start3A_285 = arith.constant 0 : i32
    %dma_start3A_286 = tpu.memref_slice %arg0[%dma_start3A_284, %dma_start3A_285] : memref<1024x768xf32, #tpu.memory_space<vmem>> -> memref<512x768xf32, #tpu.memory_space<vmem>>
    tpu.enqueue_dma source(%dma_start3A_286 : memref<512x768xf32, #tpu.memory_space<vmem>>) target(%dma_start3A_283 : memref<512x768xf32, #tpu.memory_space<any>>) target_semaphore(%arg3 : memref<!tpu.dma_semaphore, #tpu.memory_space<semaphore_mem>>)
    %dma_start3A_287 = arith.constant 18 : i32
    %dma_start3A_288 = arith.constant 0 : i32
    %dma_start3A_289 = arith.constant 0 : i32
    %dma_start3A_290 = tpu.memref_slice %arg1[%dma_start3A_287, %dma_start3A_288, %dma_start3A_289] : memref<32x1024x768xf32, #tpu.memory_space<any>> -> memref<1x512x768xf32, #tpu.memory_space<any>>
    %dma_start3A_291 = tpu.memref_squeeze %dma_start3A_290 : memref<1x512x768xf32, #tpu.memory_space<any>> -> memref<512x768xf32, #tpu.memory_space<any>>
    %dma_start3A_292 = arith.constant 0 : i32
    %dma_start3A_293 = arith.constant 0 : i32
    %dma_start3A_294 = tpu.memref_slice %arg0[%dma_start3A_292, %dma_start3A_293] : memref<1024x768xf32, #tpu.memory_space<vmem>> -> memref<512x768xf32, #tpu.memory_space<vmem>>
    tpu.enqueue_dma source(%dma_start3A_294 : memref<512x768xf32, #tpu.memory_space<vmem>>) target(%dma_start3A_291 : memref<512x768xf32, #tpu.memory_space<any>>) target_semaphore(%arg2 : memref<!tpu.dma_semaphore, #tpu.memory_space<semaphore_mem>>)
    %dma_start3A_295 = arith.constant 18 : i32
    %dma_start3A_296 = arith.constant 512 : i32
    %dma_start3A_297 = arith.constant 0 : i32
    %dma_start3A_298 = tpu.memref_slice %arg1[%dma_start3A_295, %dma_start3A_296, %dma_start3A_297] : memref<32x1024x768xf32, #tpu.memory_space<any>> -> memref<1x512x768xf32, #tpu.memory_space<any>>
    %dma_start3A_299 = tpu.memref_squeeze %dma_start3A_298 : memref<1x512x768xf32, #tpu.memory_space<any>> -> memref<512x768xf32, #tpu.memory_space<any>>
    %dma_start3A_300 = arith.constant 512 : i32
    %dma_start3A_301 = arith.constant 0 : i32
    %dma_start3A_302 = tpu.memref_slice %arg0[%dma_start3A_300, %dma_start3A_301] : memref<1024x768xf32, #tpu.memory_space<vmem>> -> memref<512x768xf32, #tpu.memory_space<vmem>>
    tpu.enqueue_dma source(%dma_start3A_302 : memref<512x768xf32, #tpu.memory_space<vmem>>) target(%dma_start3A_299 : memref<512x768xf32, #tpu.memory_space<any>>) target_semaphore(%arg3 : memref<!tpu.dma_semaphore, #tpu.memory_space<semaphore_mem>>)
    %dma_start3A_303 = arith.constant 19 : i32
    %dma_start3A_304 = arith.constant 0 : i32
    %dma_start3A_305 = arith.constant 0 : i32
    %dma_start3A_306 = tpu.memref_slice %arg1[%dma_start3A_303, %dma_start3A_304, %dma_start3A_305] : memref<32x1024x768xf32, #tpu.memory_space<any>> -> memref<1x512x768xf32, #tpu.memory_space<any>>
    %dma_start3A_307 = tpu.memref_squeeze %dma_start3A_306 : memref<1x512x768xf32, #tpu.memory_space<any>> -> memref<512x768xf32, #tpu.memory_space<any>>
    %dma_start3A_308 = arith.constant 0 : i32
    %dma_start3A_309 = arith.constant 0 : i32
    %dma_start3A_310 = tpu.memref_slice %arg0[%dma_start3A_308, %dma_start3A_309] : memref<1024x768xf32, #tpu.memory_space<vmem>> -> memref<512x768xf32, #tpu.memory_space<vmem>>
    tpu.enqueue_dma source(%dma_start3A_310 : memref<512x768xf32, #tpu.memory_space<vmem>>) target(%dma_start3A_307 : memref<512x768xf32, #tpu.memory_space<any>>) target_semaphore(%arg2 : memref<!tpu.dma_semaphore, #tpu.memory_space<semaphore_mem>>)
    %dma_start3A_311 = arith.constant 19 : i32
    %dma_start3A_312 = arith.constant 512 : i32
    %dma_start3A_313 = arith.constant 0 : i32
    %dma_start3A_314 = tpu.memref_slice %arg1[%dma_start3A_311, %dma_start3A_312, %dma_start3A_313] : memref<32x1024x768xf32, #tpu.memory_space<any>> -> memref<1x512x768xf32, #tpu.memory_space<any>>
    %dma_start3A_315 = tpu.memref_squeeze %dma_start3A_314 : memref<1x512x768xf32, #tpu.memory_space<any>> -> memref<512x768xf32, #tpu.memory_space<any>>
    %dma_start3A_316 = arith.constant 512 : i32
    %dma_start3A_317 = arith.constant 0 : i32
    %dma_start3A_318 = tpu.memref_slice %arg0[%dma_start3A_316, %dma_start3A_317] : memref<1024x768xf32, #tpu.memory_space<vmem>> -> memref<512x768xf32, #tpu.memory_space<vmem>>
    tpu.enqueue_dma source(%dma_start3A_318 : memref<512x768xf32, #tpu.memory_space<vmem>>) target(%dma_start3A_315 : memref<512x768xf32, #tpu.memory_space<any>>) target_semaphore(%arg3 : memref<!tpu.dma_semaphore, #tpu.memory_space<semaphore_mem>>)
    %dma_start3A_319 = arith.constant 20 : i32
    %dma_start3A_320 = arith.constant 0 : i32
    %dma_start3A_321 = arith.constant 0 : i32
    %dma_start3A_322 = tpu.memref_slice %arg1[%dma_start3A_319, %dma_start3A_320, %dma_start3A_321] : memref<32x1024x768xf32, #tpu.memory_space<any>> -> memref<1x512x768xf32, #tpu.memory_space<any>>
    %dma_start3A_323 = tpu.memref_squeeze %dma_start3A_322 : memref<1x512x768xf32, #tpu.memory_space<any>> -> memref<512x768xf32, #tpu.memory_space<any>>
    %dma_start3A_324 = arith.constant 0 : i32
    %dma_start3A_325 = arith.constant 0 : i32
    %dma_start3A_326 = tpu.memref_slice %arg0[%dma_start3A_324, %dma_start3A_325] : memref<1024x768xf32, #tpu.memory_space<vmem>> -> memref<512x768xf32, #tpu.memory_space<vmem>>
    tpu.enqueue_dma source(%dma_start3A_326 : memref<512x768xf32, #tpu.memory_space<vmem>>) target(%dma_start3A_323 : memref<512x768xf32, #tpu.memory_space<any>>) target_semaphore(%arg2 : memref<!tpu.dma_semaphore, #tpu.memory_space<semaphore_mem>>)
    %dma_start3A_327 = arith.constant 20 : i32
    %dma_start3A_328 = arith.constant 512 : i32
    %dma_start3A_329 = arith.constant 0 : i32
    %dma_start3A_330 = tpu.memref_slice %arg1[%dma_start3A_327, %dma_start3A_328, %dma_start3A_329] : memref<32x1024x768xf32, #tpu.memory_space<any>> -> memref<1x512x768xf32, #tpu.memory_space<any>>
    %dma_start3A_331 = tpu.memref_squeeze %dma_start3A_330 : memref<1x512x768xf32, #tpu.memory_space<any>> -> memref<512x768xf32, #tpu.memory_space<any>>
    %dma_start3A_332 = arith.constant 512 : i32
    %dma_start3A_333 = arith.constant 0 : i32
    %dma_start3A_334 = tpu.memref_slice %arg0[%dma_start3A_332, %dma_start3A_333] : memref<1024x768xf32, #tpu.memory_space<vmem>> -> memref<512x768xf32, #tpu.memory_space<vmem>>
    tpu.enqueue_dma source(%dma_start3A_334 : memref<512x768xf32, #tpu.memory_space<vmem>>) target(%dma_start3A_331 : memref<512x768xf32, #tpu.memory_space<any>>) target_semaphore(%arg3 : memref<!tpu.dma_semaphore, #tpu.memory_space<semaphore_mem>>)
    %dma_start3A_335 = arith.constant 21 : i32
    %dma_start3A_336 = arith.constant 0 : i32
    %dma_start3A_337 = arith.constant 0 : i32
    %dma_start3A_338 = tpu.memref_slice %arg1[%dma_start3A_335, %dma_start3A_336, %dma_start3A_337] : memref<32x1024x768xf32, #tpu.memory_space<any>> -> memref<1x512x768xf32, #tpu.memory_space<any>>
    %dma_start3A_339 = tpu.memref_squeeze %dma_start3A_338 : memref<1x512x768xf32, #tpu.memory_space<any>> -> memref<512x768xf32, #tpu.memory_space<any>>
    %dma_start3A_340 = arith.constant 0 : i32
    %dma_start3A_341 = arith.constant 0 : i32
    %dma_start3A_342 = tpu.memref_slice %arg0[%dma_start3A_340, %dma_start3A_341] : memref<1024x768xf32, #tpu.memory_space<vmem>> -> memref<512x768xf32, #tpu.memory_space<vmem>>
    tpu.enqueue_dma source(%dma_start3A_342 : memref<512x768xf32, #tpu.memory_space<vmem>>) target(%dma_start3A_339 : memref<512x768xf32, #tpu.memory_space<any>>) target_semaphore(%arg2 : memref<!tpu.dma_semaphore, #tpu.memory_space<semaphore_mem>>)
    %dma_start3A_343 = arith.constant 21 : i32
    %dma_start3A_344 = arith.constant 512 : i32
    %dma_start3A_345 = arith.constant 0 : i32
    %dma_start3A_346 = tpu.memref_slice %arg1[%dma_start3A_343, %dma_start3A_344, %dma_start3A_345] : memref<32x1024x768xf32, #tpu.memory_space<any>> -> memref<1x512x768xf32, #tpu.memory_space<any>>
    %dma_start3A_347 = tpu.memref_squeeze %dma_start3A_346 : memref<1x512x768xf32, #tpu.memory_space<any>> -> memref<512x768xf32, #tpu.memory_space<any>>
    %dma_start3A_348 = arith.constant 512 : i32
    %dma_start3A_349 = arith.constant 0 : i32
    %dma_start3A_350 = tpu.memref_slice %arg0[%dma_start3A_348, %dma_start3A_349] : memref<1024x768xf32, #tpu.memory_space<vmem>> -> memref<512x768xf32, #tpu.memory_space<vmem>>
    tpu.enqueue_dma source(%dma_start3A_350 : memref<512x768xf32, #tpu.memory_space<vmem>>) target(%dma_start3A_347 : memref<512x768xf32, #tpu.memory_space<any>>) target_semaphore(%arg3 : memref<!tpu.dma_semaphore, #tpu.memory_space<semaphore_mem>>)
    %dma_start3A_351 = arith.constant 22 : i32
    %dma_start3A_352 = arith.constant 0 : i32
    %dma_start3A_353 = arith.constant 0 : i32
    %dma_start3A_354 = tpu.memref_slice %arg1[%dma_start3A_351, %dma_start3A_352, %dma_start3A_353] : memref<32x1024x768xf32, #tpu.memory_space<any>> -> memref<1x512x768xf32, #tpu.memory_space<any>>
    %dma_start3A_355 = tpu.memref_squeeze %dma_start3A_354 : memref<1x512x768xf32, #tpu.memory_space<any>> -> memref<512x768xf32, #tpu.memory_space<any>>
    %dma_start3A_356 = arith.constant 0 : i32
    %dma_start3A_357 = arith.constant 0 : i32
    %dma_start3A_358 = tpu.memref_slice %arg0[%dma_start3A_356, %dma_start3A_357] : memref<1024x768xf32, #tpu.memory_space<vmem>> -> memref<512x768xf32, #tpu.memory_space<vmem>>
    tpu.enqueue_dma source(%dma_start3A_358 : memref<512x768xf32, #tpu.memory_space<vmem>>) target(%dma_start3A_355 : memref<512x768xf32, #tpu.memory_space<any>>) target_semaphore(%arg2 : memref<!tpu.dma_semaphore, #tpu.memory_space<semaphore_mem>>)
    %dma_start3A_359 = arith.constant 22 : i32
    %dma_start3A_360 = arith.constant 512 : i32
    %dma_start3A_361 = arith.constant 0 : i32
    %dma_start3A_362 = tpu.memref_slice %arg1[%dma_start3A_359, %dma_start3A_360, %dma_start3A_361] : memref<32x1024x768xf32, #tpu.memory_space<any>> -> memref<1x512x768xf32, #tpu.memory_space<any>>
    %dma_start3A_363 = tpu.memref_squeeze %dma_start3A_362 : memref<1x512x768xf32, #tpu.memory_space<any>> -> memref<512x768xf32, #tpu.memory_space<any>>
    %dma_start3A_364 = arith.constant 512 : i32
    %dma_start3A_365 = arith.constant 0 : i32
    %dma_start3A_366 = tpu.memref_slice %arg0[%dma_start3A_364, %dma_start3A_365] : memref<1024x768xf32, #tpu.memory_space<vmem>> -> memref<512x768xf32, #tpu.memory_space<vmem>>
    tpu.enqueue_dma source(%dma_start3A_366 : memref<512x768xf32, #tpu.memory_space<vmem>>) target(%dma_start3A_363 : memref<512x768xf32, #tpu.memory_space<any>>) target_semaphore(%arg3 : memref<!tpu.dma_semaphore, #tpu.memory_space<semaphore_mem>>)
    %dma_start3A_367 = arith.constant 23 : i32
    %dma_start3A_368 = arith.constant 0 : i32
    %dma_start3A_369 = arith.constant 0 : i32
    %dma_start3A_370 = tpu.memref_slice %arg1[%dma_start3A_367, %dma_start3A_368, %dma_start3A_369] : memref<32x1024x768xf32, #tpu.memory_space<any>> -> memref<1x512x768xf32, #tpu.memory_space<any>>
    %dma_start3A_371 = tpu.memref_squeeze %dma_start3A_370 : memref<1x512x768xf32, #tpu.memory_space<any>> -> memref<512x768xf32, #tpu.memory_space<any>>
    %dma_start3A_372 = arith.constant 0 : i32
    %dma_start3A_373 = arith.constant 0 : i32
    %dma_start3A_374 = tpu.memref_slice %arg0[%dma_start3A_372, %dma_start3A_373] : memref<1024x768xf32, #tpu.memory_space<vmem>> -> memref<512x768xf32, #tpu.memory_space<vmem>>
    tpu.enqueue_dma source(%dma_start3A_374 : memref<512x768xf32, #tpu.memory_space<vmem>>) target(%dma_start3A_371 : memref<512x768xf32, #tpu.memory_space<any>>) target_semaphore(%arg2 : memref<!tpu.dma_semaphore, #tpu.memory_space<semaphore_mem>>)
    %dma_start3A_375 = arith.constant 23 : i32
    %dma_start3A_376 = arith.constant 512 : i32
    %dma_start3A_377 = arith.constant 0 : i32
    %dma_start3A_378 = tpu.memref_slice %arg1[%dma_start3A_375, %dma_start3A_376, %dma_start3A_377] : memref<32x1024x768xf32, #tpu.memory_space<any>> -> memref<1x512x768xf32, #tpu.memory_space<any>>
    %dma_start3A_379 = tpu.memref_squeeze %dma_start3A_378 : memref<1x512x768xf32, #tpu.memory_space<any>> -> memref<512x768xf32, #tpu.memory_space<any>>
    %dma_start3A_380 = arith.constant 512 : i32
    %dma_start3A_381 = arith.constant 0 : i32
    %dma_start3A_382 = tpu.memref_slice %arg0[%dma_start3A_380, %dma_start3A_381] : memref<1024x768xf32, #tpu.memory_space<vmem>> -> memref<512x768xf32, #tpu.memory_space<vmem>>
    tpu.enqueue_dma source(%dma_start3A_382 : memref<512x768xf32, #tpu.memory_space<vmem>>) target(%dma_start3A_379 : memref<512x768xf32, #tpu.memory_space<any>>) target_semaphore(%arg3 : memref<!tpu.dma_semaphore, #tpu.memory_space<semaphore_mem>>)
    %dma_start3A_383 = arith.constant 24 : i32
    %dma_start3A_384 = arith.constant 0 : i32
    %dma_start3A_385 = arith.constant 0 : i32
    %dma_start3A_386 = tpu.memref_slice %arg1[%dma_start3A_383, %dma_start3A_384, %dma_start3A_385] : memref<32x1024x768xf32, #tpu.memory_space<any>> -> memref<1x512x768xf32, #tpu.memory_space<any>>
    %dma_start3A_387 = tpu.memref_squeeze %dma_start3A_386 : memref<1x512x768xf32, #tpu.memory_space<any>> -> memref<512x768xf32, #tpu.memory_space<any>>
    %dma_start3A_388 = arith.constant 0 : i32
    %dma_start3A_389 = arith.constant 0 : i32
    %dma_start3A_390 = tpu.memref_slice %arg0[%dma_start3A_388, %dma_start3A_389] : memref<1024x768xf32, #tpu.memory_space<vmem>> -> memref<512x768xf32, #tpu.memory_space<vmem>>
    tpu.enqueue_dma source(%dma_start3A_390 : memref<512x768xf32, #tpu.memory_space<vmem>>) target(%dma_start3A_387 : memref<512x768xf32, #tpu.memory_space<any>>) target_semaphore(%arg2 : memref<!tpu.dma_semaphore, #tpu.memory_space<semaphore_mem>>)
    %dma_start3A_391 = arith.constant 24 : i32
    %dma_start3A_392 = arith.constant 512 : i32
    %dma_start3A_393 = arith.constant 0 : i32
    %dma_start3A_394 = tpu.memref_slice %arg1[%dma_start3A_391, %dma_start3A_392, %dma_start3A_393] : memref<32x1024x768xf32, #tpu.memory_space<any>> -> memref<1x512x768xf32, #tpu.memory_space<any>>
    %dma_start3A_395 = tpu.memref_squeeze %dma_start3A_394 : memref<1x512x768xf32, #tpu.memory_space<any>> -> memref<512x768xf32, #tpu.memory_space<any>>
    %dma_start3A_396 = arith.constant 512 : i32
    %dma_start3A_397 = arith.constant 0 : i32
    %dma_start3A_398 = tpu.memref_slice %arg0[%dma_start3A_396, %dma_start3A_397] : memref<1024x768xf32, #tpu.memory_space<vmem>> -> memref<512x768xf32, #tpu.memory_space<vmem>>
    tpu.enqueue_dma source(%dma_start3A_398 : memref<512x768xf32, #tpu.memory_space<vmem>>) target(%dma_start3A_395 : memref<512x768xf32, #tpu.memory_space<any>>) target_semaphore(%arg3 : memref<!tpu.dma_semaphore, #tpu.memory_space<semaphore_mem>>)
    %dma_start3A_399 = arith.constant 25 : i32
    %dma_start3A_400 = arith.constant 0 : i32
    %dma_start3A_401 = arith.constant 0 : i32
    %dma_start3A_402 = tpu.memref_slice %arg1[%dma_start3A_399, %dma_start3A_400, %dma_start3A_401] : memref<32x1024x768xf32, #tpu.memory_space<any>> -> memref<1x512x768xf32, #tpu.memory_space<any>>
    %dma_start3A_403 = tpu.memref_squeeze %dma_start3A_402 : memref<1x512x768xf32, #tpu.memory_space<any>> -> memref<512x768xf32, #tpu.memory_space<any>>
    %dma_start3A_404 = arith.constant 0 : i32
    %dma_start3A_405 = arith.constant 0 : i32
    %dma_start3A_406 = tpu.memref_slice %arg0[%dma_start3A_404, %dma_start3A_405] : memref<1024x768xf32, #tpu.memory_space<vmem>> -> memref<512x768xf32, #tpu.memory_space<vmem>>
    tpu.enqueue_dma source(%dma_start3A_406 : memref<512x768xf32, #tpu.memory_space<vmem>>) target(%dma_start3A_403 : memref<512x768xf32, #tpu.memory_space<any>>) target_semaphore(%arg2 : memref<!tpu.dma_semaphore, #tpu.memory_space<semaphore_mem>>)
    %dma_start3A_407 = arith.constant 25 : i32
    %dma_start3A_408 = arith.constant 512 : i32
    %dma_start3A_409 = arith.constant 0 : i32
    %dma_start3A_410 = tpu.memref_slice %arg1[%dma_start3A_407, %dma_start3A_408, %dma_start3A_409] : memref<32x1024x768xf32, #tpu.memory_space<any>> -> memref<1x512x768xf32, #tpu.memory_space<any>>
    %dma_start3A_411 = tpu.memref_squeeze %dma_start3A_410 : memref<1x512x768xf32, #tpu.memory_space<any>> -> memref<512x768xf32, #tpu.memory_space<any>>
    %dma_start3A_412 = arith.constant 512 : i32
    %dma_start3A_413 = arith.constant 0 : i32
    %dma_start3A_414 = tpu.memref_slice %arg0[%dma_start3A_412, %dma_start3A_413] : memref<1024x768xf32, #tpu.memory_space<vmem>> -> memref<512x768xf32, #tpu.memory_space<vmem>>
    tpu.enqueue_dma source(%dma_start3A_414 : memref<512x768xf32, #tpu.memory_space<vmem>>) target(%dma_start3A_411 : memref<512x768xf32, #tpu.memory_space<any>>) target_semaphore(%arg3 : memref<!tpu.dma_semaphore, #tpu.memory_space<semaphore_mem>>)
    %dma_start3A_415 = arith.constant 26 : i32
    %dma_start3A_416 = arith.constant 0 : i32
    %dma_start3A_417 = arith.constant 0 : i32
    %dma_start3A_418 = tpu.memref_slice %arg1[%dma_start3A_415, %dma_start3A_416, %dma_start3A_417] : memref<32x1024x768xf32, #tpu.memory_space<any>> -> memref<1x512x768xf32, #tpu.memory_space<any>>
    %dma_start3A_419 = tpu.memref_squeeze %dma_start3A_418 : memref<1x512x768xf32, #tpu.memory_space<any>> -> memref<512x768xf32, #tpu.memory_space<any>>
    %dma_start3A_420 = arith.constant 0 : i32
    %dma_start3A_421 = arith.constant 0 : i32
    %dma_start3A_422 = tpu.memref_slice %arg0[%dma_start3A_420, %dma_start3A_421] : memref<1024x768xf32, #tpu.memory_space<vmem>> -> memref<512x768xf32, #tpu.memory_space<vmem>>
    tpu.enqueue_dma source(%dma_start3A_422 : memref<512x768xf32, #tpu.memory_space<vmem>>) target(%dma_start3A_419 : memref<512x768xf32, #tpu.memory_space<any>>) target_semaphore(%arg2 : memref<!tpu.dma_semaphore, #tpu.memory_space<semaphore_mem>>)
    %dma_start3A_423 = arith.constant 26 : i32
    %dma_start3A_424 = arith.constant 512 : i32
    %dma_start3A_425 = arith.constant 0 : i32
    %dma_start3A_426 = tpu.memref_slice %arg1[%dma_start3A_423, %dma_start3A_424, %dma_start3A_425] : memref<32x1024x768xf32, #tpu.memory_space<any>> -> memref<1x512x768xf32, #tpu.memory_space<any>>
    %dma_start3A_427 = tpu.memref_squeeze %dma_start3A_426 : memref<1x512x768xf32, #tpu.memory_space<any>> -> memref<512x768xf32, #tpu.memory_space<any>>
    %dma_start3A_428 = arith.constant 512 : i32
    %dma_start3A_429 = arith.constant 0 : i32
    %dma_start3A_430 = tpu.memref_slice %arg0[%dma_start3A_428, %dma_start3A_429] : memref<1024x768xf32, #tpu.memory_space<vmem>> -> memref<512x768xf32, #tpu.memory_space<vmem>>
    tpu.enqueue_dma source(%dma_start3A_430 : memref<512x768xf32, #tpu.memory_space<vmem>>) target(%dma_start3A_427 : memref<512x768xf32, #tpu.memory_space<any>>) target_semaphore(%arg3 : memref<!tpu.dma_semaphore, #tpu.memory_space<semaphore_mem>>)
    %dma_start3A_431 = arith.constant 27 : i32
    %dma_start3A_432 = arith.constant 0 : i32
    %dma_start3A_433 = arith.constant 0 : i32
    %dma_start3A_434 = tpu.memref_slice %arg1[%dma_start3A_431, %dma_start3A_432, %dma_start3A_433] : memref<32x1024x768xf32, #tpu.memory_space<any>> -> memref<1x512x768xf32, #tpu.memory_space<any>>
    %dma_start3A_435 = tpu.memref_squeeze %dma_start3A_434 : memref<1x512x768xf32, #tpu.memory_space<any>> -> memref<512x768xf32, #tpu.memory_space<any>>
    %dma_start3A_436 = arith.constant 0 : i32
    %dma_start3A_437 = arith.constant 0 : i32
    %dma_start3A_438 = tpu.memref_slice %arg0[%dma_start3A_436, %dma_start3A_437] : memref<1024x768xf32, #tpu.memory_space<vmem>> -> memref<512x768xf32, #tpu.memory_space<vmem>>
    tpu.enqueue_dma source(%dma_start3A_438 : memref<512x768xf32, #tpu.memory_space<vmem>>) target(%dma_start3A_435 : memref<512x768xf32, #tpu.memory_space<any>>) target_semaphore(%arg2 : memref<!tpu.dma_semaphore, #tpu.memory_space<semaphore_mem>>)
    %dma_start3A_439 = arith.constant 27 : i32
    %dma_start3A_440 = arith.constant 512 : i32
    %dma_start3A_441 = arith.constant 0 : i32
    %dma_start3A_442 = tpu.memref_slice %arg1[%dma_start3A_439, %dma_start3A_440, %dma_start3A_441] : memref<32x1024x768xf32, #tpu.memory_space<any>> -> memref<1x512x768xf32, #tpu.memory_space<any>>
    %dma_start3A_443 = tpu.memref_squeeze %dma_start3A_442 : memref<1x512x768xf32, #tpu.memory_space<any>> -> memref<512x768xf32, #tpu.memory_space<any>>
    %dma_start3A_444 = arith.constant 512 : i32
    %dma_start3A_445 = arith.constant 0 : i32
    %dma_start3A_446 = tpu.memref_slice %arg0[%dma_start3A_444, %dma_start3A_445] : memref<1024x768xf32, #tpu.memory_space<vmem>> -> memref<512x768xf32, #tpu.memory_space<vmem>>
    tpu.enqueue_dma source(%dma_start3A_446 : memref<512x768xf32, #tpu.memory_space<vmem>>) target(%dma_start3A_443 : memref<512x768xf32, #tpu.memory_space<any>>) target_semaphore(%arg3 : memref<!tpu.dma_semaphore, #tpu.memory_space<semaphore_mem>>)
    %dma_start3A_447 = arith.constant 28 : i32
    %dma_start3A_448 = arith.constant 0 : i32
    %dma_start3A_449 = arith.constant 0 : i32
    %dma_start3A_450 = tpu.memref_slice %arg1[%dma_start3A_447, %dma_start3A_448, %dma_start3A_449] : memref<32x1024x768xf32, #tpu.memory_space<any>> -> memref<1x512x768xf32, #tpu.memory_space<any>>
    %dma_start3A_451 = tpu.memref_squeeze %dma_start3A_450 : memref<1x512x768xf32, #tpu.memory_space<any>> -> memref<512x768xf32, #tpu.memory_space<any>>
    %dma_start3A_452 = arith.constant 0 : i32
    %dma_start3A_453 = arith.constant 0 : i32
    %dma_start3A_454 = tpu.memref_slice %arg0[%dma_start3A_452, %dma_start3A_453] : memref<1024x768xf32, #tpu.memory_space<vmem>> -> memref<512x768xf32, #tpu.memory_space<vmem>>
    tpu.enqueue_dma source(%dma_start3A_454 : memref<512x768xf32, #tpu.memory_space<vmem>>) target(%dma_start3A_451 : memref<512x768xf32, #tpu.memory_space<any>>) target_semaphore(%arg2 : memref<!tpu.dma_semaphore, #tpu.memory_space<semaphore_mem>>)
    %dma_start3A_455 = arith.constant 28 : i32
    %dma_start3A_456 = arith.constant 512 : i32
    %dma_start3A_457 = arith.constant 0 : i32
    %dma_start3A_458 = tpu.memref_slice %arg1[%dma_start3A_455, %dma_start3A_456, %dma_start3A_457] : memref<32x1024x768xf32, #tpu.memory_space<any>> -> memref<1x512x768xf32, #tpu.memory_space<any>>
    %dma_start3A_459 = tpu.memref_squeeze %dma_start3A_458 : memref<1x512x768xf32, #tpu.memory_space<any>> -> memref<512x768xf32, #tpu.memory_space<any>>
    %dma_start3A_460 = arith.constant 512 : i32
    %dma_start3A_461 = arith.constant 0 : i32
    %dma_start3A_462 = tpu.memref_slice %arg0[%dma_start3A_460, %dma_start3A_461] : memref<1024x768xf32, #tpu.memory_space<vmem>> -> memref<512x768xf32, #tpu.memory_space<vmem>>
    tpu.enqueue_dma source(%dma_start3A_462 : memref<512x768xf32, #tpu.memory_space<vmem>>) target(%dma_start3A_459 : memref<512x768xf32, #tpu.memory_space<any>>) target_semaphore(%arg3 : memref<!tpu.dma_semaphore, #tpu.memory_space<semaphore_mem>>)
    %dma_start3A_463 = arith.constant 29 : i32
    %dma_start3A_464 = arith.constant 0 : i32
    %dma_start3A_465 = arith.constant 0 : i32
    %dma_start3A_466 = tpu.memref_slice %arg1[%dma_start3A_463, %dma_start3A_464, %dma_start3A_465] : memref<32x1024x768xf32, #tpu.memory_space<any>> -> memref<1x512x768xf32, #tpu.memory_space<any>>
    %dma_start3A_467 = tpu.memref_squeeze %dma_start3A_466 : memref<1x512x768xf32, #tpu.memory_space<any>> -> memref<512x768xf32, #tpu.memory_space<any>>
    %dma_start3A_468 = arith.constant 0 : i32
    %dma_start3A_469 = arith.constant 0 : i32
    %dma_start3A_470 = tpu.memref_slice %arg0[%dma_start3A_468, %dma_start3A_469] : memref<1024x768xf32, #tpu.memory_space<vmem>> -> memref<512x768xf32, #tpu.memory_space<vmem>>
    tpu.enqueue_dma source(%dma_start3A_470 : memref<512x768xf32, #tpu.memory_space<vmem>>) target(%dma_start3A_467 : memref<512x768xf32, #tpu.memory_space<any>>) target_semaphore(%arg2 : memref<!tpu.dma_semaphore, #tpu.memory_space<semaphore_mem>>)
    %dma_start3A_471 = arith.constant 29 : i32
    %dma_start3A_472 = arith.constant 512 : i32
    %dma_start3A_473 = arith.constant 0 : i32
    %dma_start3A_474 = tpu.memref_slice %arg1[%dma_start3A_471, %dma_start3A_472, %dma_start3A_473] : memref<32x1024x768xf32, #tpu.memory_space<any>> -> memref<1x512x768xf32, #tpu.memory_space<any>>
    %dma_start3A_475 = tpu.memref_squeeze %dma_start3A_474 : memref<1x512x768xf32, #tpu.memory_space<any>> -> memref<512x768xf32, #tpu.memory_space<any>>
    %dma_start3A_476 = arith.constant 512 : i32
    %dma_start3A_477 = arith.constant 0 : i32
    %dma_start3A_478 = tpu.memref_slice %arg0[%dma_start3A_476, %dma_start3A_477] : memref<1024x768xf32, #tpu.memory_space<vmem>> -> memref<512x768xf32, #tpu.memory_space<vmem>>
    tpu.enqueue_dma source(%dma_start3A_478 : memref<512x768xf32, #tpu.memory_space<vmem>>) target(%dma_start3A_475 : memref<512x768xf32, #tpu.memory_space<any>>) target_semaphore(%arg3 : memref<!tpu.dma_semaphore, #tpu.memory_space<semaphore_mem>>)
    %dma_start3A_479 = arith.constant 30 : i32
    %dma_start3A_480 = arith.constant 0 : i32
    %dma_start3A_481 = arith.constant 0 : i32
    %dma_start3A_482 = tpu.memref_slice %arg1[%dma_start3A_479, %dma_start3A_480, %dma_start3A_481] : memref<32x1024x768xf32, #tpu.memory_space<any>> -> memref<1x512x768xf32, #tpu.memory_space<any>>
    %dma_start3A_483 = tpu.memref_squeeze %dma_start3A_482 : memref<1x512x768xf32, #tpu.memory_space<any>> -> memref<512x768xf32, #tpu.memory_space<any>>
    %dma_start3A_484 = arith.constant 0 : i32
    %dma_start3A_485 = arith.constant 0 : i32
    %dma_start3A_486 = tpu.memref_slice %arg0[%dma_start3A_484, %dma_start3A_485] : memref<1024x768xf32, #tpu.memory_space<vmem>> -> memref<512x768xf32, #tpu.memory_space<vmem>>
    tpu.enqueue_dma source(%dma_start3A_486 : memref<512x768xf32, #tpu.memory_space<vmem>>) target(%dma_start3A_483 : memref<512x768xf32, #tpu.memory_space<any>>) target_semaphore(%arg2 : memref<!tpu.dma_semaphore, #tpu.memory_space<semaphore_mem>>)
    %dma_start3A_487 = arith.constant 30 : i32
    %dma_start3A_488 = arith.constant 512 : i32
    %dma_start3A_489 = arith.constant 0 : i32
    %dma_start3A_490 = tpu.memref_slice %arg1[%dma_start3A_487, %dma_start3A_488, %dma_start3A_489] : memref<32x1024x768xf32, #tpu.memory_space<any>> -> memref<1x512x768xf32, #tpu.memory_space<any>>
    %dma_start3A_491 = tpu.memref_squeeze %dma_start3A_490 : memref<1x512x768xf32, #tpu.memory_space<any>> -> memref<512x768xf32, #tpu.memory_space<any>>
    %dma_start3A_492 = arith.constant 512 : i32
    %dma_start3A_493 = arith.constant 0 : i32
    %dma_start3A_494 = tpu.memref_slice %arg0[%dma_start3A_492, %dma_start3A_493] : memref<1024x768xf32, #tpu.memory_space<vmem>> -> memref<512x768xf32, #tpu.memory_space<vmem>>
    tpu.enqueue_dma source(%dma_start3A_494 : memref<512x768xf32, #tpu.memory_space<vmem>>) target(%dma_start3A_491 : memref<512x768xf32, #tpu.memory_space<any>>) target_semaphore(%arg3 : memref<!tpu.dma_semaphore, #tpu.memory_space<semaphore_mem>>)
    %dma_start3A_495 = arith.constant 31 : i32
    %dma_start3A_496 = arith.constant 0 : i32
    %dma_start3A_497 = arith.constant 0 : i32
    %dma_start3A_498 = tpu.memref_slice %arg1[%dma_start3A_495, %dma_start3A_496, %dma_start3A_497] : memref<32x1024x768xf32, #tpu.memory_space<any>> -> memref<1x512x768xf32, #tpu.memory_space<any>>
    %dma_start3A_499 = tpu.memref_squeeze %dma_start3A_498 : memref<1x512x768xf32, #tpu.memory_space<any>> -> memref<512x768xf32, #tpu.memory_space<any>>
    %dma_start3A_500 = arith.constant 0 : i32
    %dma_start3A_501 = arith.constant 0 : i32
    %dma_start3A_502 = tpu.memref_slice %arg0[%dma_start3A_500, %dma_start3A_501] : memref<1024x768xf32, #tpu.memory_space<vmem>> -> memref<512x768xf32, #tpu.memory_space<vmem>>
    tpu.enqueue_dma source(%dma_start3A_502 : memref<512x768xf32, #tpu.memory_space<vmem>>) target(%dma_start3A_499 : memref<512x768xf32, #tpu.memory_space<any>>) target_semaphore(%arg2 : memref<!tpu.dma_semaphore, #tpu.memory_space<semaphore_mem>>)
    %dma_start3A_503 = arith.constant 31 : i32
    %dma_start3A_504 = arith.constant 512 : i32
    %dma_start3A_505 = arith.constant 0 : i32
    %dma_start3A_506 = tpu.memref_slice %arg1[%dma_start3A_503, %dma_start3A_504, %dma_start3A_505] : memref<32x1024x768xf32, #tpu.memory_space<any>> -> memref<1x512x768xf32, #tpu.memory_space<any>>
    %dma_start3A_507 = tpu.memref_squeeze %dma_start3A_506 : memref<1x512x768xf32, #tpu.memory_space<any>> -> memref<512x768xf32, #tpu.memory_space<any>>
    %dma_start3A_508 = arith.constant 512 : i32
    %dma_start3A_509 = arith.constant 0 : i32
    %dma_start3A_510 = tpu.memref_slice %arg0[%dma_start3A_508, %dma_start3A_509] : memref<1024x768xf32, #tpu.memory_space<vmem>> -> memref<512x768xf32, #tpu.memory_space<vmem>>
    tpu.enqueue_dma source(%dma_start3A_510 : memref<512x768xf32, #tpu.memory_space<vmem>>) target(%dma_start3A_507 : memref<512x768xf32, #tpu.memory_space<any>>) target_semaphore(%arg3 : memref<!tpu.dma_semaphore, #tpu.memory_space<semaphore_mem>>)
    %dma_wait3A = arith.constant 0 : i32
    %dma_wait3A_511 = arith.constant 0 : i32
    %dma_wait3A_512 = arith.constant 0 : i32
    %dma_wait3A_513 = tpu.memref_slice %arg1[%dma_wait3A, %dma_wait3A_511, %dma_wait3A_512] : memref<32x1024x768xf32, #tpu.memory_space<any>> -> memref<1x512x768xf32, #tpu.memory_space<any>>
    %dma_wait3A_514 = tpu.memref_squeeze %dma_wait3A_513 : memref<1x512x768xf32, #tpu.memory_space<any>> -> memref<512x768xf32, #tpu.memory_space<any>>
    %dma_wait3A_515 = arith.constant 0 : i32
    %dma_wait3A_516 = arith.constant 0 : i32
    %dma_wait3A_517 = tpu.memref_slice %arg0[%dma_wait3A_515, %dma_wait3A_516] : memref<1024x768xf32, #tpu.memory_space<vmem>> -> memref<512x768xf32, #tpu.memory_space<vmem>>
    tpu.wait_dma2 semaphore(%arg2 : memref<!tpu.dma_semaphore, #tpu.memory_space<semaphore_mem>>) src(%dma_wait3A_517 : memref<512x768xf32, #tpu.memory_space<vmem>>) dst(%dma_wait3A_514 : memref<512x768xf32, #tpu.memory_space<any>>)
    %dma_wait3A_518 = arith.constant 0 : i32
    %dma_wait3A_519 = arith.constant 512 : i32
    %dma_wait3A_520 = arith.constant 0 : i32
    %dma_wait3A_521 = tpu.memref_slice %arg1[%dma_wait3A_518, %dma_wait3A_519, %dma_wait3A_520] : memref<32x1024x768xf32, #tpu.memory_space<any>> -> memref<1x512x768xf32, #tpu.memory_space<any>>
    %dma_wait3A_522 = tpu.memref_squeeze %dma_wait3A_521 : memref<1x512x768xf32, #tpu.memory_space<any>> -> memref<512x768xf32, #tpu.memory_space<any>>
    %dma_wait3A_523 = arith.constant 512 : i32
    %dma_wait3A_524 = arith.constant 0 : i32
    %dma_wait3A_525 = tpu.memref_slice %arg0[%dma_wait3A_523, %dma_wait3A_524] : memref<1024x768xf32, #tpu.memory_space<vmem>> -> memref<512x768xf32, #tpu.memory_space<vmem>>
    tpu.wait_dma2 semaphore(%arg3 : memref<!tpu.dma_semaphore, #tpu.memory_space<semaphore_mem>>) src(%dma_wait3A_525 : memref<512x768xf32, #tpu.memory_space<vmem>>) dst(%dma_wait3A_522 : memref<512x768xf32, #tpu.memory_space<any>>)
    %dma_wait3A_526 = arith.constant 1 : i32
    %dma_wait3A_527 = arith.constant 0 : i32
    %dma_wait3A_528 = arith.constant 0 : i32
    %dma_wait3A_529 = tpu.memref_slice %arg1[%dma_wait3A_526, %dma_wait3A_527, %dma_wait3A_528] : memref<32x1024x768xf32, #tpu.memory_space<any>> -> memref<1x512x768xf32, #tpu.memory_space<any>>
    %dma_wait3A_530 = tpu.memref_squeeze %dma_wait3A_529 : memref<1x512x768xf32, #tpu.memory_space<any>> -> memref<512x768xf32, #tpu.memory_space<any>>
    %dma_wait3A_531 = arith.constant 0 : i32
    %dma_wait3A_532 = arith.constant 0 : i32
    %dma_wait3A_533 = tpu.memref_slice %arg0[%dma_wait3A_531, %dma_wait3A_532] : memref<1024x768xf32, #tpu.memory_space<vmem>> -> memref<512x768xf32, #tpu.memory_space<vmem>>
    tpu.wait_dma2 semaphore(%arg2 : memref<!tpu.dma_semaphore, #tpu.memory_space<semaphore_mem>>) src(%dma_wait3A_533 : memref<512x768xf32, #tpu.memory_space<vmem>>) dst(%dma_wait3A_530 : memref<512x768xf32, #tpu.memory_space<any>>)
    %dma_wait3A_534 = arith.constant 1 : i32
    %dma_wait3A_535 = arith.constant 512 : i32
    %dma_wait3A_536 = arith.constant 0 : i32
    %dma_wait3A_537 = tpu.memref_slice %arg1[%dma_wait3A_534, %dma_wait3A_535, %dma_wait3A_536] : memref<32x1024x768xf32, #tpu.memory_space<any>> -> memref<1x512x768xf32, #tpu.memory_space<any>>
    %dma_wait3A_538 = tpu.memref_squeeze %dma_wait3A_537 : memref<1x512x768xf32, #tpu.memory_space<any>> -> memref<512x768xf32, #tpu.memory_space<any>>
    %dma_wait3A_539 = arith.constant 512 : i32
    %dma_wait3A_540 = arith.constant 0 : i32
    %dma_wait3A_541 = tpu.memref_slice %arg0[%dma_wait3A_539, %dma_wait3A_540] : memref<1024x768xf32, #tpu.memory_space<vmem>> -> memref<512x768xf32, #tpu.memory_space<vmem>>
    tpu.wait_dma2 semaphore(%arg3 : memref<!tpu.dma_semaphore, #tpu.memory_space<semaphore_mem>>) src(%dma_wait3A_541 : memref<512x768xf32, #tpu.memory_space<vmem>>) dst(%dma_wait3A_538 : memref<512x768xf32, #tpu.memory_space<any>>)
    %dma_wait3A_542 = arith.constant 2 : i32
    %dma_wait3A_543 = arith.constant 0 : i32
    %dma_wait3A_544 = arith.constant 0 : i32
    %dma_wait3A_545 = tpu.memref_slice %arg1[%dma_wait3A_542, %dma_wait3A_543, %dma_wait3A_544] : memref<32x1024x768xf32, #tpu.memory_space<any>> -> memref<1x512x768xf32, #tpu.memory_space<any>>
    %dma_wait3A_546 = tpu.memref_squeeze %dma_wait3A_545 : memref<1x512x768xf32, #tpu.memory_space<any>> -> memref<512x768xf32, #tpu.memory_space<any>>
    %dma_wait3A_547 = arith.constant 0 : i32
    %dma_wait3A_548 = arith.constant 0 : i32
    %dma_wait3A_549 = tpu.memref_slice %arg0[%dma_wait3A_547, %dma_wait3A_548] : memref<1024x768xf32, #tpu.memory_space<vmem>> -> memref<512x768xf32, #tpu.memory_space<vmem>>
    tpu.wait_dma2 semaphore(%arg2 : memref<!tpu.dma_semaphore, #tpu.memory_space<semaphore_mem>>) src(%dma_wait3A_549 : memref<512x768xf32, #tpu.memory_space<vmem>>) dst(%dma_wait3A_546 : memref<512x768xf32, #tpu.memory_space<any>>)
    %dma_wait3A_550 = arith.constant 2 : i32
    %dma_wait3A_551 = arith.constant 512 : i32
    %dma_wait3A_552 = arith.constant 0 : i32
    %dma_wait3A_553 = tpu.memref_slice %arg1[%dma_wait3A_550, %dma_wait3A_551, %dma_wait3A_552] : memref<32x1024x768xf32, #tpu.memory_space<any>> -> memref<1x512x768xf32, #tpu.memory_space<any>>
    %dma_wait3A_554 = tpu.memref_squeeze %dma_wait3A_553 : memref<1x512x768xf32, #tpu.memory_space<any>> -> memref<512x768xf32, #tpu.memory_space<any>>
    %dma_wait3A_555 = arith.constant 512 : i32
    %dma_wait3A_556 = arith.constant 0 : i32
    %dma_wait3A_557 = tpu.memref_slice %arg0[%dma_wait3A_555, %dma_wait3A_556] : memref<1024x768xf32, #tpu.memory_space<vmem>> -> memref<512x768xf32, #tpu.memory_space<vmem>>
    tpu.wait_dma2 semaphore(%arg3 : memref<!tpu.dma_semaphore, #tpu.memory_space<semaphore_mem>>) src(%dma_wait3A_557 : memref<512x768xf32, #tpu.memory_space<vmem>>) dst(%dma_wait3A_554 : memref<512x768xf32, #tpu.memory_space<any>>)
    %dma_wait3A_558 = arith.constant 3 : i32
    %dma_wait3A_559 = arith.constant 0 : i32
    %dma_wait3A_560 = arith.constant 0 : i32
    %dma_wait3A_561 = tpu.memref_slice %arg1[%dma_wait3A_558, %dma_wait3A_559, %dma_wait3A_560] : memref<32x1024x768xf32, #tpu.memory_space<any>> -> memref<1x512x768xf32, #tpu.memory_space<any>>
    %dma_wait3A_562 = tpu.memref_squeeze %dma_wait3A_561 : memref<1x512x768xf32, #tpu.memory_space<any>> -> memref<512x768xf32, #tpu.memory_space<any>>
    %dma_wait3A_563 = arith.constant 0 : i32
    %dma_wait3A_564 = arith.constant 0 : i32
    %dma_wait3A_565 = tpu.memref_slice %arg0[%dma_wait3A_563, %dma_wait3A_564] : memref<1024x768xf32, #tpu.memory_space<vmem>> -> memref<512x768xf32, #tpu.memory_space<vmem>>
    tpu.wait_dma2 semaphore(%arg2 : memref<!tpu.dma_semaphore, #tpu.memory_space<semaphore_mem>>) src(%dma_wait3A_565 : memref<512x768xf32, #tpu.memory_space<vmem>>) dst(%dma_wait3A_562 : memref<512x768xf32, #tpu.memory_space<any>>)
    %dma_wait3A_566 = arith.constant 3 : i32
    %dma_wait3A_567 = arith.constant 512 : i32
    %dma_wait3A_568 = arith.constant 0 : i32
    %dma_wait3A_569 = tpu.memref_slice %arg1[%dma_wait3A_566, %dma_wait3A_567, %dma_wait3A_568] : memref<32x1024x768xf32, #tpu.memory_space<any>> -> memref<1x512x768xf32, #tpu.memory_space<any>>
    %dma_wait3A_570 = tpu.memref_squeeze %dma_wait3A_569 : memref<1x512x768xf32, #tpu.memory_space<any>> -> memref<512x768xf32, #tpu.memory_space<any>>
    %dma_wait3A_571 = arith.constant 512 : i32
    %dma_wait3A_572 = arith.constant 0 : i32
    %dma_wait3A_573 = tpu.memref_slice %arg0[%dma_wait3A_571, %dma_wait3A_572] : memref<1024x768xf32, #tpu.memory_space<vmem>> -> memref<512x768xf32, #tpu.memory_space<vmem>>
    tpu.wait_dma2 semaphore(%arg3 : memref<!tpu.dma_semaphore, #tpu.memory_space<semaphore_mem>>) src(%dma_wait3A_573 : memref<512x768xf32, #tpu.memory_space<vmem>>) dst(%dma_wait3A_570 : memref<512x768xf32, #tpu.memory_space<any>>)
    %dma_wait3A_574 = arith.constant 4 : i32
    %dma_wait3A_575 = arith.constant 0 : i32
    %dma_wait3A_576 = arith.constant 0 : i32
    %dma_wait3A_577 = tpu.memref_slice %arg1[%dma_wait3A_574, %dma_wait3A_575, %dma_wait3A_576] : memref<32x1024x768xf32, #tpu.memory_space<any>> -> memref<1x512x768xf32, #tpu.memory_space<any>>
    %dma_wait3A_578 = tpu.memref_squeeze %dma_wait3A_577 : memref<1x512x768xf32, #tpu.memory_space<any>> -> memref<512x768xf32, #tpu.memory_space<any>>
    %dma_wait3A_579 = arith.constant 0 : i32
    %dma_wait3A_580 = arith.constant 0 : i32
    %dma_wait3A_581 = tpu.memref_slice %arg0[%dma_wait3A_579, %dma_wait3A_580] : memref<1024x768xf32, #tpu.memory_space<vmem>> -> memref<512x768xf32, #tpu.memory_space<vmem>>
    tpu.wait_dma2 semaphore(%arg2 : memref<!tpu.dma_semaphore, #tpu.memory_space<semaphore_mem>>) src(%dma_wait3A_581 : memref<512x768xf32, #tpu.memory_space<vmem>>) dst(%dma_wait3A_578 : memref<512x768xf32, #tpu.memory_space<any>>)
    %dma_wait3A_582 = arith.constant 4 : i32
    %dma_wait3A_583 = arith.constant 512 : i32
    %dma_wait3A_584 = arith.constant 0 : i32
    %dma_wait3A_585 = tpu.memref_slice %arg1[%dma_wait3A_582, %dma_wait3A_583, %dma_wait3A_584] : memref<32x1024x768xf32, #tpu.memory_space<any>> -> memref<1x512x768xf32, #tpu.memory_space<any>>
    %dma_wait3A_586 = tpu.memref_squeeze %dma_wait3A_585 : memref<1x512x768xf32, #tpu.memory_space<any>> -> memref<512x768xf32, #tpu.memory_space<any>>
    %dma_wait3A_587 = arith.constant 512 : i32
    %dma_wait3A_588 = arith.constant 0 : i32
    %dma_wait3A_589 = tpu.memref_slice %arg0[%dma_wait3A_587, %dma_wait3A_588] : memref<1024x768xf32, #tpu.memory_space<vmem>> -> memref<512x768xf32, #tpu.memory_space<vmem>>
    tpu.wait_dma2 semaphore(%arg3 : memref<!tpu.dma_semaphore, #tpu.memory_space<semaphore_mem>>) src(%dma_wait3A_589 : memref<512x768xf32, #tpu.memory_space<vmem>>) dst(%dma_wait3A_586 : memref<512x768xf32, #tpu.memory_space<any>>)
    %dma_wait3A_590 = arith.constant 5 : i32
    %dma_wait3A_591 = arith.constant 0 : i32
    %dma_wait3A_592 = arith.constant 0 : i32
    %dma_wait3A_593 = tpu.memref_slice %arg1[%dma_wait3A_590, %dma_wait3A_591, %dma_wait3A_592] : memref<32x1024x768xf32, #tpu.memory_space<any>> -> memref<1x512x768xf32, #tpu.memory_space<any>>
    %dma_wait3A_594 = tpu.memref_squeeze %dma_wait3A_593 : memref<1x512x768xf32, #tpu.memory_space<any>> -> memref<512x768xf32, #tpu.memory_space<any>>
    %dma_wait3A_595 = arith.constant 0 : i32
    %dma_wait3A_596 = arith.constant 0 : i32
    %dma_wait3A_597 = tpu.memref_slice %arg0[%dma_wait3A_595, %dma_wait3A_596] : memref<1024x768xf32, #tpu.memory_space<vmem>> -> memref<512x768xf32, #tpu.memory_space<vmem>>
    tpu.wait_dma2 semaphore(%arg2 : memref<!tpu.dma_semaphore, #tpu.memory_space<semaphore_mem>>) src(%dma_wait3A_597 : memref<512x768xf32, #tpu.memory_space<vmem>>) dst(%dma_wait3A_594 : memref<512x768xf32, #tpu.memory_space<any>>)
    %dma_wait3A_598 = arith.constant 5 : i32
    %dma_wait3A_599 = arith.constant 512 : i32
    %dma_wait3A_600 = arith.constant 0 : i32
    %dma_wait3A_601 = tpu.memref_slice %arg1[%dma_wait3A_598, %dma_wait3A_599, %dma_wait3A_600] : memref<32x1024x768xf32, #tpu.memory_space<any>> -> memref<1x512x768xf32, #tpu.memory_space<any>>
    %dma_wait3A_602 = tpu.memref_squeeze %dma_wait3A_601 : memref<1x512x768xf32, #tpu.memory_space<any>> -> memref<512x768xf32, #tpu.memory_space<any>>
    %dma_wait3A_603 = arith.constant 512 : i32
    %dma_wait3A_604 = arith.constant 0 : i32
    %dma_wait3A_605 = tpu.memref_slice %arg0[%dma_wait3A_603, %dma_wait3A_604] : memref<1024x768xf32, #tpu.memory_space<vmem>> -> memref<512x768xf32, #tpu.memory_space<vmem>>
    tpu.wait_dma2 semaphore(%arg3 : memref<!tpu.dma_semaphore, #tpu.memory_space<semaphore_mem>>) src(%dma_wait3A_605 : memref<512x768xf32, #tpu.memory_space<vmem>>) dst(%dma_wait3A_602 : memref<512x768xf32, #tpu.memory_space<any>>)
    %dma_wait3A_606 = arith.constant 6 : i32
    %dma_wait3A_607 = arith.constant 0 : i32
    %dma_wait3A_608 = arith.constant 0 : i32
    %dma_wait3A_609 = tpu.memref_slice %arg1[%dma_wait3A_606, %dma_wait3A_607, %dma_wait3A_608] : memref<32x1024x768xf32, #tpu.memory_space<any>> -> memref<1x512x768xf32, #tpu.memory_space<any>>
    %dma_wait3A_610 = tpu.memref_squeeze %dma_wait3A_609 : memref<1x512x768xf32, #tpu.memory_space<any>> -> memref<512x768xf32, #tpu.memory_space<any>>
    %dma_wait3A_611 = arith.constant 0 : i32
    %dma_wait3A_612 = arith.constant 0 : i32
    %dma_wait3A_613 = tpu.memref_slice %arg0[%dma_wait3A_611, %dma_wait3A_612] : memref<1024x768xf32, #tpu.memory_space<vmem>> -> memref<512x768xf32, #tpu.memory_space<vmem>>
    tpu.wait_dma2 semaphore(%arg2 : memref<!tpu.dma_semaphore, #tpu.memory_space<semaphore_mem>>) src(%dma_wait3A_613 : memref<512x768xf32, #tpu.memory_space<vmem>>) dst(%dma_wait3A_610 : memref<512x768xf32, #tpu.memory_space<any>>)
    %dma_wait3A_614 = arith.constant 6 : i32
    %dma_wait3A_615 = arith.constant 512 : i32
    %dma_wait3A_616 = arith.constant 0 : i32
    %dma_wait3A_617 = tpu.memref_slice %arg1[%dma_wait3A_614, %dma_wait3A_615, %dma_wait3A_616] : memref<32x1024x768xf32, #tpu.memory_space<any>> -> memref<1x512x768xf32, #tpu.memory_space<any>>
    %dma_wait3A_618 = tpu.memref_squeeze %dma_wait3A_617 : memref<1x512x768xf32, #tpu.memory_space<any>> -> memref<512x768xf32, #tpu.memory_space<any>>
    %dma_wait3A_619 = arith.constant 512 : i32
    %dma_wait3A_620 = arith.constant 0 : i32
    %dma_wait3A_621 = tpu.memref_slice %arg0[%dma_wait3A_619, %dma_wait3A_620] : memref<1024x768xf32, #tpu.memory_space<vmem>> -> memref<512x768xf32, #tpu.memory_space<vmem>>
    tpu.wait_dma2 semaphore(%arg3 : memref<!tpu.dma_semaphore, #tpu.memory_space<semaphore_mem>>) src(%dma_wait3A_621 : memref<512x768xf32, #tpu.memory_space<vmem>>) dst(%dma_wait3A_618 : memref<512x768xf32, #tpu.memory_space<any>>)
    %dma_wait3A_622 = arith.constant 7 : i32
    %dma_wait3A_623 = arith.constant 0 : i32
    %dma_wait3A_624 = arith.constant 0 : i32
    %dma_wait3A_625 = tpu.memref_slice %arg1[%dma_wait3A_622, %dma_wait3A_623, %dma_wait3A_624] : memref<32x1024x768xf32, #tpu.memory_space<any>> -> memref<1x512x768xf32, #tpu.memory_space<any>>
    %dma_wait3A_626 = tpu.memref_squeeze %dma_wait3A_625 : memref<1x512x768xf32, #tpu.memory_space<any>> -> memref<512x768xf32, #tpu.memory_space<any>>
    %dma_wait3A_627 = arith.constant 0 : i32
    %dma_wait3A_628 = arith.constant 0 : i32
    %dma_wait3A_629 = tpu.memref_slice %arg0[%dma_wait3A_627, %dma_wait3A_628] : memref<1024x768xf32, #tpu.memory_space<vmem>> -> memref<512x768xf32, #tpu.memory_space<vmem>>
    tpu.wait_dma2 semaphore(%arg2 : memref<!tpu.dma_semaphore, #tpu.memory_space<semaphore_mem>>) src(%dma_wait3A_629 : memref<512x768xf32, #tpu.memory_space<vmem>>) dst(%dma_wait3A_626 : memref<512x768xf32, #tpu.memory_space<any>>)
    %dma_wait3A_630 = arith.constant 7 : i32
    %dma_wait3A_631 = arith.constant 512 : i32
    %dma_wait3A_632 = arith.constant 0 : i32
    %dma_wait3A_633 = tpu.memref_slice %arg1[%dma_wait3A_630, %dma_wait3A_631, %dma_wait3A_632] : memref<32x1024x768xf32, #tpu.memory_space<any>> -> memref<1x512x768xf32, #tpu.memory_space<any>>
    %dma_wait3A_634 = tpu.memref_squeeze %dma_wait3A_633 : memref<1x512x768xf32, #tpu.memory_space<any>> -> memref<512x768xf32, #tpu.memory_space<any>>
    %dma_wait3A_635 = arith.constant 512 : i32
    %dma_wait3A_636 = arith.constant 0 : i32
    %dma_wait3A_637 = tpu.memref_slice %arg0[%dma_wait3A_635, %dma_wait3A_636] : memref<1024x768xf32, #tpu.memory_space<vmem>> -> memref<512x768xf32, #tpu.memory_space<vmem>>
    tpu.wait_dma2 semaphore(%arg3 : memref<!tpu.dma_semaphore, #tpu.memory_space<semaphore_mem>>) src(%dma_wait3A_637 : memref<512x768xf32, #tpu.memory_space<vmem>>) dst(%dma_wait3A_634 : memref<512x768xf32, #tpu.memory_space<any>>)
    %dma_wait3A_638 = arith.constant 8 : i32
    %dma_wait3A_639 = arith.constant 0 : i32
    %dma_wait3A_640 = arith.constant 0 : i32
    %dma_wait3A_641 = tpu.memref_slice %arg1[%dma_wait3A_638, %dma_wait3A_639, %dma_wait3A_640] : memref<32x1024x768xf32, #tpu.memory_space<any>> -> memref<1x512x768xf32, #tpu.memory_space<any>>
    %dma_wait3A_642 = tpu.memref_squeeze %dma_wait3A_641 : memref<1x512x768xf32, #tpu.memory_space<any>> -> memref<512x768xf32, #tpu.memory_space<any>>
    %dma_wait3A_643 = arith.constant 0 : i32
    %dma_wait3A_644 = arith.constant 0 : i32
    %dma_wait3A_645 = tpu.memref_slice %arg0[%dma_wait3A_643, %dma_wait3A_644] : memref<1024x768xf32, #tpu.memory_space<vmem>> -> memref<512x768xf32, #tpu.memory_space<vmem>>
    tpu.wait_dma2 semaphore(%arg2 : memref<!tpu.dma_semaphore, #tpu.memory_space<semaphore_mem>>) src(%dma_wait3A_645 : memref<512x768xf32, #tpu.memory_space<vmem>>) dst(%dma_wait3A_642 : memref<512x768xf32, #tpu.memory_space<any>>)
    %dma_wait3A_646 = arith.constant 8 : i32
    %dma_wait3A_647 = arith.constant 512 : i32
    %dma_wait3A_648 = arith.constant 0 : i32
    %dma_wait3A_649 = tpu.memref_slice %arg1[%dma_wait3A_646, %dma_wait3A_647, %dma_wait3A_648] : memref<32x1024x768xf32, #tpu.memory_space<any>> -> memref<1x512x768xf32, #tpu.memory_space<any>>
    %dma_wait3A_650 = tpu.memref_squeeze %dma_wait3A_649 : memref<1x512x768xf32, #tpu.memory_space<any>> -> memref<512x768xf32, #tpu.memory_space<any>>
    %dma_wait3A_651 = arith.constant 512 : i32
    %dma_wait3A_652 = arith.constant 0 : i32
    %dma_wait3A_653 = tpu.memref_slice %arg0[%dma_wait3A_651, %dma_wait3A_652] : memref<1024x768xf32, #tpu.memory_space<vmem>> -> memref<512x768xf32, #tpu.memory_space<vmem>>
    tpu.wait_dma2 semaphore(%arg3 : memref<!tpu.dma_semaphore, #tpu.memory_space<semaphore_mem>>) src(%dma_wait3A_653 : memref<512x768xf32, #tpu.memory_space<vmem>>) dst(%dma_wait3A_650 : memref<512x768xf32, #tpu.memory_space<any>>)
    %dma_wait3A_654 = arith.constant 9 : i32
    %dma_wait3A_655 = arith.constant 0 : i32
    %dma_wait3A_656 = arith.constant 0 : i32
    %dma_wait3A_657 = tpu.memref_slice %arg1[%dma_wait3A_654, %dma_wait3A_655, %dma_wait3A_656] : memref<32x1024x768xf32, #tpu.memory_space<any>> -> memref<1x512x768xf32, #tpu.memory_space<any>>
    %dma_wait3A_658 = tpu.memref_squeeze %dma_wait3A_657 : memref<1x512x768xf32, #tpu.memory_space<any>> -> memref<512x768xf32, #tpu.memory_space<any>>
    %dma_wait3A_659 = arith.constant 0 : i32
    %dma_wait3A_660 = arith.constant 0 : i32
    %dma_wait3A_661 = tpu.memref_slice %arg0[%dma_wait3A_659, %dma_wait3A_660] : memref<1024x768xf32, #tpu.memory_space<vmem>> -> memref<512x768xf32, #tpu.memory_space<vmem>>
    tpu.wait_dma2 semaphore(%arg2 : memref<!tpu.dma_semaphore, #tpu.memory_space<semaphore_mem>>) src(%dma_wait3A_661 : memref<512x768xf32, #tpu.memory_space<vmem>>) dst(%dma_wait3A_658 : memref<512x768xf32, #tpu.memory_space<any>>)
    %dma_wait3A_662 = arith.constant 9 : i32
    %dma_wait3A_663 = arith.constant 512 : i32
    %dma_wait3A_664 = arith.constant 0 : i32
    %dma_wait3A_665 = tpu.memref_slice %arg1[%dma_wait3A_662, %dma_wait3A_663, %dma_wait3A_664] : memref<32x1024x768xf32, #tpu.memory_space<any>> -> memref<1x512x768xf32, #tpu.memory_space<any>>
    %dma_wait3A_666 = tpu.memref_squeeze %dma_wait3A_665 : memref<1x512x768xf32, #tpu.memory_space<any>> -> memref<512x768xf32, #tpu.memory_space<any>>
    %dma_wait3A_667 = arith.constant 512 : i32
    %dma_wait3A_668 = arith.constant 0 : i32
    %dma_wait3A_669 = tpu.memref_slice %arg0[%dma_wait3A_667, %dma_wait3A_668] : memref<1024x768xf32, #tpu.memory_space<vmem>> -> memref<512x768xf32, #tpu.memory_space<vmem>>
    tpu.wait_dma2 semaphore(%arg3 : memref<!tpu.dma_semaphore, #tpu.memory_space<semaphore_mem>>) src(%dma_wait3A_669 : memref<512x768xf32, #tpu.memory_space<vmem>>) dst(%dma_wait3A_666 : memref<512x768xf32, #tpu.memory_space<any>>)
    %dma_wait3A_670 = arith.constant 10 : i32
    %dma_wait3A_671 = arith.constant 0 : i32
    %dma_wait3A_672 = arith.constant 0 : i32
    %dma_wait3A_673 = tpu.memref_slice %arg1[%dma_wait3A_670, %dma_wait3A_671, %dma_wait3A_672] : memref<32x1024x768xf32, #tpu.memory_space<any>> -> memref<1x512x768xf32, #tpu.memory_space<any>>
    %dma_wait3A_674 = tpu.memref_squeeze %dma_wait3A_673 : memref<1x512x768xf32, #tpu.memory_space<any>> -> memref<512x768xf32, #tpu.memory_space<any>>
    %dma_wait3A_675 = arith.constant 0 : i32
    %dma_wait3A_676 = arith.constant 0 : i32
    %dma_wait3A_677 = tpu.memref_slice %arg0[%dma_wait3A_675, %dma_wait3A_676] : memref<1024x768xf32, #tpu.memory_space<vmem>> -> memref<512x768xf32, #tpu.memory_space<vmem>>
    tpu.wait_dma2 semaphore(%arg2 : memref<!tpu.dma_semaphore, #tpu.memory_space<semaphore_mem>>) src(%dma_wait3A_677 : memref<512x768xf32, #tpu.memory_space<vmem>>) dst(%dma_wait3A_674 : memref<512x768xf32, #tpu.memory_space<any>>)
    %dma_wait3A_678 = arith.constant 10 : i32
    %dma_wait3A_679 = arith.constant 512 : i32
    %dma_wait3A_680 = arith.constant 0 : i32
    %dma_wait3A_681 = tpu.memref_slice %arg1[%dma_wait3A_678, %dma_wait3A_679, %dma_wait3A_680] : memref<32x1024x768xf32, #tpu.memory_space<any>> -> memref<1x512x768xf32, #tpu.memory_space<any>>
    %dma_wait3A_682 = tpu.memref_squeeze %dma_wait3A_681 : memref<1x512x768xf32, #tpu.memory_space<any>> -> memref<512x768xf32, #tpu.memory_space<any>>
    %dma_wait3A_683 = arith.constant 512 : i32
    %dma_wait3A_684 = arith.constant 0 : i32
    %dma_wait3A_685 = tpu.memref_slice %arg0[%dma_wait3A_683, %dma_wait3A_684] : memref<1024x768xf32, #tpu.memory_space<vmem>> -> memref<512x768xf32, #tpu.memory_space<vmem>>
    tpu.wait_dma2 semaphore(%arg3 : memref<!tpu.dma_semaphore, #tpu.memory_space<semaphore_mem>>) src(%dma_wait3A_685 : memref<512x768xf32, #tpu.memory_space<vmem>>) dst(%dma_wait3A_682 : memref<512x768xf32, #tpu.memory_space<any>>)
    %dma_wait3A_686 = arith.constant 11 : i32
    %dma_wait3A_687 = arith.constant 0 : i32
    %dma_wait3A_688 = arith.constant 0 : i32
    %dma_wait3A_689 = tpu.memref_slice %arg1[%dma_wait3A_686, %dma_wait3A_687, %dma_wait3A_688] : memref<32x1024x768xf32, #tpu.memory_space<any>> -> memref<1x512x768xf32, #tpu.memory_space<any>>
    %dma_wait3A_690 = tpu.memref_squeeze %dma_wait3A_689 : memref<1x512x768xf32, #tpu.memory_space<any>> -> memref<512x768xf32, #tpu.memory_space<any>>
    %dma_wait3A_691 = arith.constant 0 : i32
    %dma_wait3A_692 = arith.constant 0 : i32
    %dma_wait3A_693 = tpu.memref_slice %arg0[%dma_wait3A_691, %dma_wait3A_692] : memref<1024x768xf32, #tpu.memory_space<vmem>> -> memref<512x768xf32, #tpu.memory_space<vmem>>
    tpu.wait_dma2 semaphore(%arg2 : memref<!tpu.dma_semaphore, #tpu.memory_space<semaphore_mem>>) src(%dma_wait3A_693 : memref<512x768xf32, #tpu.memory_space<vmem>>) dst(%dma_wait3A_690 : memref<512x768xf32, #tpu.memory_space<any>>)
    %dma_wait3A_694 = arith.constant 11 : i32
    %dma_wait3A_695 = arith.constant 512 : i32
    %dma_wait3A_696 = arith.constant 0 : i32
    %dma_wait3A_697 = tpu.memref_slice %arg1[%dma_wait3A_694, %dma_wait3A_695, %dma_wait3A_696] : memref<32x1024x768xf32, #tpu.memory_space<any>> -> memref<1x512x768xf32, #tpu.memory_space<any>>
    %dma_wait3A_698 = tpu.memref_squeeze %dma_wait3A_697 : memref<1x512x768xf32, #tpu.memory_space<any>> -> memref<512x768xf32, #tpu.memory_space<any>>
    %dma_wait3A_699 = arith.constant 512 : i32
    %dma_wait3A_700 = arith.constant 0 : i32
    %dma_wait3A_701 = tpu.memref_slice %arg0[%dma_wait3A_699, %dma_wait3A_700] : memref<1024x768xf32, #tpu.memory_space<vmem>> -> memref<512x768xf32, #tpu.memory_space<vmem>>
    tpu.wait_dma2 semaphore(%arg3 : memref<!tpu.dma_semaphore, #tpu.memory_space<semaphore_mem>>) src(%dma_wait3A_701 : memref<512x768xf32, #tpu.memory_space<vmem>>) dst(%dma_wait3A_698 : memref<512x768xf32, #tpu.memory_space<any>>)
    %dma_wait3A_702 = arith.constant 12 : i32
    %dma_wait3A_703 = arith.constant 0 : i32
    %dma_wait3A_704 = arith.constant 0 : i32
    %dma_wait3A_705 = tpu.memref_slice %arg1[%dma_wait3A_702, %dma_wait3A_703, %dma_wait3A_704] : memref<32x1024x768xf32, #tpu.memory_space<any>> -> memref<1x512x768xf32, #tpu.memory_space<any>>
    %dma_wait3A_706 = tpu.memref_squeeze %dma_wait3A_705 : memref<1x512x768xf32, #tpu.memory_space<any>> -> memref<512x768xf32, #tpu.memory_space<any>>
    %dma_wait3A_707 = arith.constant 0 : i32
    %dma_wait3A_708 = arith.constant 0 : i32
    %dma_wait3A_709 = tpu.memref_slice %arg0[%dma_wait3A_707, %dma_wait3A_708] : memref<1024x768xf32, #tpu.memory_space<vmem>> -> memref<512x768xf32, #tpu.memory_space<vmem>>
    tpu.wait_dma2 semaphore(%arg2 : memref<!tpu.dma_semaphore, #tpu.memory_space<semaphore_mem>>) src(%dma_wait3A_709 : memref<512x768xf32, #tpu.memory_space<vmem>>) dst(%dma_wait3A_706 : memref<512x768xf32, #tpu.memory_space<any>>)
    %dma_wait3A_710 = arith.constant 12 : i32
    %dma_wait3A_711 = arith.constant 512 : i32
    %dma_wait3A_712 = arith.constant 0 : i32
    %dma_wait3A_713 = tpu.memref_slice %arg1[%dma_wait3A_710, %dma_wait3A_711, %dma_wait3A_712] : memref<32x1024x768xf32, #tpu.memory_space<any>> -> memref<1x512x768xf32, #tpu.memory_space<any>>
    %dma_wait3A_714 = tpu.memref_squeeze %dma_wait3A_713 : memref<1x512x768xf32, #tpu.memory_space<any>> -> memref<512x768xf32, #tpu.memory_space<any>>
    %dma_wait3A_715 = arith.constant 512 : i32
    %dma_wait3A_716 = arith.constant 0 : i32
    %dma_wait3A_717 = tpu.memref_slice %arg0[%dma_wait3A_715, %dma_wait3A_716] : memref<1024x768xf32, #tpu.memory_space<vmem>> -> memref<512x768xf32, #tpu.memory_space<vmem>>
    tpu.wait_dma2 semaphore(%arg3 : memref<!tpu.dma_semaphore, #tpu.memory_space<semaphore_mem>>) src(%dma_wait3A_717 : memref<512x768xf32, #tpu.memory_space<vmem>>) dst(%dma_wait3A_714 : memref<512x768xf32, #tpu.memory_space<any>>)
    %dma_wait3A_718 = arith.constant 13 : i32
    %dma_wait3A_719 = arith.constant 0 : i32
    %dma_wait3A_720 = arith.constant 0 : i32
    %dma_wait3A_721 = tpu.memref_slice %arg1[%dma_wait3A_718, %dma_wait3A_719, %dma_wait3A_720] : memref<32x1024x768xf32, #tpu.memory_space<any>> -> memref<1x512x768xf32, #tpu.memory_space<any>>
    %dma_wait3A_722 = tpu.memref_squeeze %dma_wait3A_721 : memref<1x512x768xf32, #tpu.memory_space<any>> -> memref<512x768xf32, #tpu.memory_space<any>>
    %dma_wait3A_723 = arith.constant 0 : i32
    %dma_wait3A_724 = arith.constant 0 : i32
    %dma_wait3A_725 = tpu.memref_slice %arg0[%dma_wait3A_723, %dma_wait3A_724] : memref<1024x768xf32, #tpu.memory_space<vmem>> -> memref<512x768xf32, #tpu.memory_space<vmem>>
    tpu.wait_dma2 semaphore(%arg2 : memref<!tpu.dma_semaphore, #tpu.memory_space<semaphore_mem>>) src(%dma_wait3A_725 : memref<512x768xf32, #tpu.memory_space<vmem>>) dst(%dma_wait3A_722 : memref<512x768xf32, #tpu.memory_space<any>>)
    %dma_wait3A_726 = arith.constant 13 : i32
    %dma_wait3A_727 = arith.constant 512 : i32
    %dma_wait3A_728 = arith.constant 0 : i32
    %dma_wait3A_729 = tpu.memref_slice %arg1[%dma_wait3A_726, %dma_wait3A_727, %dma_wait3A_728] : memref<32x1024x768xf32, #tpu.memory_space<any>> -> memref<1x512x768xf32, #tpu.memory_space<any>>
    %dma_wait3A_730 = tpu.memref_squeeze %dma_wait3A_729 : memref<1x512x768xf32, #tpu.memory_space<any>> -> memref<512x768xf32, #tpu.memory_space<any>>
    %dma_wait3A_731 = arith.constant 512 : i32
    %dma_wait3A_732 = arith.constant 0 : i32
    %dma_wait3A_733 = tpu.memref_slice %arg0[%dma_wait3A_731, %dma_wait3A_732] : memref<1024x768xf32, #tpu.memory_space<vmem>> -> memref<512x768xf32, #tpu.memory_space<vmem>>
    tpu.wait_dma2 semaphore(%arg3 : memref<!tpu.dma_semaphore, #tpu.memory_space<semaphore_mem>>) src(%dma_wait3A_733 : memref<512x768xf32, #tpu.memory_space<vmem>>) dst(%dma_wait3A_730 : memref<512x768xf32, #tpu.memory_space<any>>)
    %dma_wait3A_734 = arith.constant 14 : i32
    %dma_wait3A_735 = arith.constant 0 : i32
    %dma_wait3A_736 = arith.constant 0 : i32
    %dma_wait3A_737 = tpu.memref_slice %arg1[%dma_wait3A_734, %dma_wait3A_735, %dma_wait3A_736] : memref<32x1024x768xf32, #tpu.memory_space<any>> -> memref<1x512x768xf32, #tpu.memory_space<any>>
    %dma_wait3A_738 = tpu.memref_squeeze %dma_wait3A_737 : memref<1x512x768xf32, #tpu.memory_space<any>> -> memref<512x768xf32, #tpu.memory_space<any>>
    %dma_wait3A_739 = arith.constant 0 : i32
    %dma_wait3A_740 = arith.constant 0 : i32
    %dma_wait3A_741 = tpu.memref_slice %arg0[%dma_wait3A_739, %dma_wait3A_740] : memref<1024x768xf32, #tpu.memory_space<vmem>> -> memref<512x768xf32, #tpu.memory_space<vmem>>
    tpu.wait_dma2 semaphore(%arg2 : memref<!tpu.dma_semaphore, #tpu.memory_space<semaphore_mem>>) src(%dma_wait3A_741 : memref<512x768xf32, #tpu.memory_space<vmem>>) dst(%dma_wait3A_738 : memref<512x768xf32, #tpu.memory_space<any>>)
    %dma_wait3A_742 = arith.constant 14 : i32
    %dma_wait3A_743 = arith.constant 512 : i32
    %dma_wait3A_744 = arith.constant 0 : i32
    %dma_wait3A_745 = tpu.memref_slice %arg1[%dma_wait3A_742, %dma_wait3A_743, %dma_wait3A_744] : memref<32x1024x768xf32, #tpu.memory_space<any>> -> memref<1x512x768xf32, #tpu.memory_space<any>>
    %dma_wait3A_746 = tpu.memref_squeeze %dma_wait3A_745 : memref<1x512x768xf32, #tpu.memory_space<any>> -> memref<512x768xf32, #tpu.memory_space<any>>
    %dma_wait3A_747 = arith.constant 512 : i32
    %dma_wait3A_748 = arith.constant 0 : i32
    %dma_wait3A_749 = tpu.memref_slice %arg0[%dma_wait3A_747, %dma_wait3A_748] : memref<1024x768xf32, #tpu.memory_space<vmem>> -> memref<512x768xf32, #tpu.memory_space<vmem>>
    tpu.wait_dma2 semaphore(%arg3 : memref<!tpu.dma_semaphore, #tpu.memory_space<semaphore_mem>>) src(%dma_wait3A_749 : memref<512x768xf32, #tpu.memory_space<vmem>>) dst(%dma_wait3A_746 : memref<512x768xf32, #tpu.memory_space<any>>)
    %dma_wait3A_750 = arith.constant 15 : i32
    %dma_wait3A_751 = arith.constant 0 : i32
    %dma_wait3A_752 = arith.constant 0 : i32
    %dma_wait3A_753 = tpu.memref_slice %arg1[%dma_wait3A_750, %dma_wait3A_751, %dma_wait3A_752] : memref<32x1024x768xf32, #tpu.memory_space<any>> -> memref<1x512x768xf32, #tpu.memory_space<any>>
    %dma_wait3A_754 = tpu.memref_squeeze %dma_wait3A_753 : memref<1x512x768xf32, #tpu.memory_space<any>> -> memref<512x768xf32, #tpu.memory_space<any>>
    %dma_wait3A_755 = arith.constant 0 : i32
    %dma_wait3A_756 = arith.constant 0 : i32
    %dma_wait3A_757 = tpu.memref_slice %arg0[%dma_wait3A_755, %dma_wait3A_756] : memref<1024x768xf32, #tpu.memory_space<vmem>> -> memref<512x768xf32, #tpu.memory_space<vmem>>
    tpu.wait_dma2 semaphore(%arg2 : memref<!tpu.dma_semaphore, #tpu.memory_space<semaphore_mem>>) src(%dma_wait3A_757 : memref<512x768xf32, #tpu.memory_space<vmem>>) dst(%dma_wait3A_754 : memref<512x768xf32, #tpu.memory_space<any>>)
    %dma_wait3A_758 = arith.constant 15 : i32
    %dma_wait3A_759 = arith.constant 512 : i32
    %dma_wait3A_760 = arith.constant 0 : i32
    %dma_wait3A_761 = tpu.memref_slice %arg1[%dma_wait3A_758, %dma_wait3A_759, %dma_wait3A_760] : memref<32x1024x768xf32, #tpu.memory_space<any>> -> memref<1x512x768xf32, #tpu.memory_space<any>>
    %dma_wait3A_762 = tpu.memref_squeeze %dma_wait3A_761 : memref<1x512x768xf32, #tpu.memory_space<any>> -> memref<512x768xf32, #tpu.memory_space<any>>
    %dma_wait3A_763 = arith.constant 512 : i32
    %dma_wait3A_764 = arith.constant 0 : i32
    %dma_wait3A_765 = tpu.memref_slice %arg0[%dma_wait3A_763, %dma_wait3A_764] : memref<1024x768xf32, #tpu.memory_space<vmem>> -> memref<512x768xf32, #tpu.memory_space<vmem>>
    tpu.wait_dma2 semaphore(%arg3 : memref<!tpu.dma_semaphore, #tpu.memory_space<semaphore_mem>>) src(%dma_wait3A_765 : memref<512x768xf32, #tpu.memory_space<vmem>>) dst(%dma_wait3A_762 : memref<512x768xf32, #tpu.memory_space<any>>)
    %dma_wait3A_766 = arith.constant 16 : i32
    %dma_wait3A_767 = arith.constant 0 : i32
    %dma_wait3A_768 = arith.constant 0 : i32
    %dma_wait3A_769 = tpu.memref_slice %arg1[%dma_wait3A_766, %dma_wait3A_767, %dma_wait3A_768] : memref<32x1024x768xf32, #tpu.memory_space<any>> -> memref<1x512x768xf32, #tpu.memory_space<any>>
    %dma_wait3A_770 = tpu.memref_squeeze %dma_wait3A_769 : memref<1x512x768xf32, #tpu.memory_space<any>> -> memref<512x768xf32, #tpu.memory_space<any>>
    %dma_wait3A_771 = arith.constant 0 : i32
    %dma_wait3A_772 = arith.constant 0 : i32
    %dma_wait3A_773 = tpu.memref_slice %arg0[%dma_wait3A_771, %dma_wait3A_772] : memref<1024x768xf32, #tpu.memory_space<vmem>> -> memref<512x768xf32, #tpu.memory_space<vmem>>
    tpu.wait_dma2 semaphore(%arg2 : memref<!tpu.dma_semaphore, #tpu.memory_space<semaphore_mem>>) src(%dma_wait3A_773 : memref<512x768xf32, #tpu.memory_space<vmem>>) dst(%dma_wait3A_770 : memref<512x768xf32, #tpu.memory_space<any>>)
    %dma_wait3A_774 = arith.constant 16 : i32
    %dma_wait3A_775 = arith.constant 512 : i32
    %dma_wait3A_776 = arith.constant 0 : i32
    %dma_wait3A_777 = tpu.memref_slice %arg1[%dma_wait3A_774, %dma_wait3A_775, %dma_wait3A_776] : memref<32x1024x768xf32, #tpu.memory_space<any>> -> memref<1x512x768xf32, #tpu.memory_space<any>>
    %dma_wait3A_778 = tpu.memref_squeeze %dma_wait3A_777 : memref<1x512x768xf32, #tpu.memory_space<any>> -> memref<512x768xf32, #tpu.memory_space<any>>
    %dma_wait3A_779 = arith.constant 512 : i32
    %dma_wait3A_780 = arith.constant 0 : i32
    %dma_wait3A_781 = tpu.memref_slice %arg0[%dma_wait3A_779, %dma_wait3A_780] : memref<1024x768xf32, #tpu.memory_space<vmem>> -> memref<512x768xf32, #tpu.memory_space<vmem>>
    tpu.wait_dma2 semaphore(%arg3 : memref<!tpu.dma_semaphore, #tpu.memory_space<semaphore_mem>>) src(%dma_wait3A_781 : memref<512x768xf32, #tpu.memory_space<vmem>>) dst(%dma_wait3A_778 : memref<512x768xf32, #tpu.memory_space<any>>)
    %dma_wait3A_782 = arith.constant 17 : i32
    %dma_wait3A_783 = arith.constant 0 : i32
    %dma_wait3A_784 = arith.constant 0 : i32
    %dma_wait3A_785 = tpu.memref_slice %arg1[%dma_wait3A_782, %dma_wait3A_783, %dma_wait3A_784] : memref<32x1024x768xf32, #tpu.memory_space<any>> -> memref<1x512x768xf32, #tpu.memory_space<any>>
    %dma_wait3A_786 = tpu.memref_squeeze %dma_wait3A_785 : memref<1x512x768xf32, #tpu.memory_space<any>> -> memref<512x768xf32, #tpu.memory_space<any>>
    %dma_wait3A_787 = arith.constant 0 : i32
    %dma_wait3A_788 = arith.constant 0 : i32
    %dma_wait3A_789 = tpu.memref_slice %arg0[%dma_wait3A_787, %dma_wait3A_788] : memref<1024x768xf32, #tpu.memory_space<vmem>> -> memref<512x768xf32, #tpu.memory_space<vmem>>
    tpu.wait_dma2 semaphore(%arg2 : memref<!tpu.dma_semaphore, #tpu.memory_space<semaphore_mem>>) src(%dma_wait3A_789 : memref<512x768xf32, #tpu.memory_space<vmem>>) dst(%dma_wait3A_786 : memref<512x768xf32, #tpu.memory_space<any>>)
    %dma_wait3A_790 = arith.constant 17 : i32
    %dma_wait3A_791 = arith.constant 512 : i32
    %dma_wait3A_792 = arith.constant 0 : i32
    %dma_wait3A_793 = tpu.memref_slice %arg1[%dma_wait3A_790, %dma_wait3A_791, %dma_wait3A_792] : memref<32x1024x768xf32, #tpu.memory_space<any>> -> memref<1x512x768xf32, #tpu.memory_space<any>>
    %dma_wait3A_794 = tpu.memref_squeeze %dma_wait3A_793 : memref<1x512x768xf32, #tpu.memory_space<any>> -> memref<512x768xf32, #tpu.memory_space<any>>
    %dma_wait3A_795 = arith.constant 512 : i32
    %dma_wait3A_796 = arith.constant 0 : i32
    %dma_wait3A_797 = tpu.memref_slice %arg0[%dma_wait3A_795, %dma_wait3A_796] : memref<1024x768xf32, #tpu.memory_space<vmem>> -> memref<512x768xf32, #tpu.memory_space<vmem>>
    tpu.wait_dma2 semaphore(%arg3 : memref<!tpu.dma_semaphore, #tpu.memory_space<semaphore_mem>>) src(%dma_wait3A_797 : memref<512x768xf32, #tpu.memory_space<vmem>>) dst(%dma_wait3A_794 : memref<512x768xf32, #tpu.memory_space<any>>)
    %dma_wait3A_798 = arith.constant 18 : i32
    %dma_wait3A_799 = arith.constant 0 : i32
    %dma_wait3A_800 = arith.constant 0 : i32
    %dma_wait3A_801 = tpu.memref_slice %arg1[%dma_wait3A_798, %dma_wait3A_799, %dma_wait3A_800] : memref<32x1024x768xf32, #tpu.memory_space<any>> -> memref<1x512x768xf32, #tpu.memory_space<any>>
    %dma_wait3A_802 = tpu.memref_squeeze %dma_wait3A_801 : memref<1x512x768xf32, #tpu.memory_space<any>> -> memref<512x768xf32, #tpu.memory_space<any>>
    %dma_wait3A_803 = arith.constant 0 : i32
    %dma_wait3A_804 = arith.constant 0 : i32
    %dma_wait3A_805 = tpu.memref_slice %arg0[%dma_wait3A_803, %dma_wait3A_804] : memref<1024x768xf32, #tpu.memory_space<vmem>> -> memref<512x768xf32, #tpu.memory_space<vmem>>
    tpu.wait_dma2 semaphore(%arg2 : memref<!tpu.dma_semaphore, #tpu.memory_space<semaphore_mem>>) src(%dma_wait3A_805 : memref<512x768xf32, #tpu.memory_space<vmem>>) dst(%dma_wait3A_802 : memref<512x768xf32, #tpu.memory_space<any>>)
    %dma_wait3A_806 = arith.constant 18 : i32
    %dma_wait3A_807 = arith.constant 512 : i32
    %dma_wait3A_808 = arith.constant 0 : i32
    %dma_wait3A_809 = tpu.memref_slice %arg1[%dma_wait3A_806, %dma_wait3A_807, %dma_wait3A_808] : memref<32x1024x768xf32, #tpu.memory_space<any>> -> memref<1x512x768xf32, #tpu.memory_space<any>>
    %dma_wait3A_810 = tpu.memref_squeeze %dma_wait3A_809 : memref<1x512x768xf32, #tpu.memory_space<any>> -> memref<512x768xf32, #tpu.memory_space<any>>
    %dma_wait3A_811 = arith.constant 512 : i32
    %dma_wait3A_812 = arith.constant 0 : i32
    %dma_wait3A_813 = tpu.memref_slice %arg0[%dma_wait3A_811, %dma_wait3A_812] : memref<1024x768xf32, #tpu.memory_space<vmem>> -> memref<512x768xf32, #tpu.memory_space<vmem>>
    tpu.wait_dma2 semaphore(%arg3 : memref<!tpu.dma_semaphore, #tpu.memory_space<semaphore_mem>>) src(%dma_wait3A_813 : memref<512x768xf32, #tpu.memory_space<vmem>>) dst(%dma_wait3A_810 : memref<512x768xf32, #tpu.memory_space<any>>)
    %dma_wait3A_814 = arith.constant 19 : i32
    %dma_wait3A_815 = arith.constant 0 : i32
    %dma_wait3A_816 = arith.constant 0 : i32
    %dma_wait3A_817 = tpu.memref_slice %arg1[%dma_wait3A_814, %dma_wait3A_815, %dma_wait3A_816] : memref<32x1024x768xf32, #tpu.memory_space<any>> -> memref<1x512x768xf32, #tpu.memory_space<any>>
    %dma_wait3A_818 = tpu.memref_squeeze %dma_wait3A_817 : memref<1x512x768xf32, #tpu.memory_space<any>> -> memref<512x768xf32, #tpu.memory_space<any>>
    %dma_wait3A_819 = arith.constant 0 : i32
    %dma_wait3A_820 = arith.constant 0 : i32
    %dma_wait3A_821 = tpu.memref_slice %arg0[%dma_wait3A_819, %dma_wait3A_820] : memref<1024x768xf32, #tpu.memory_space<vmem>> -> memref<512x768xf32, #tpu.memory_space<vmem>>
    tpu.wait_dma2 semaphore(%arg2 : memref<!tpu.dma_semaphore, #tpu.memory_space<semaphore_mem>>) src(%dma_wait3A_821 : memref<512x768xf32, #tpu.memory_space<vmem>>) dst(%dma_wait3A_818 : memref<512x768xf32, #tpu.memory_space<any>>)
    %dma_wait3A_822 = arith.constant 19 : i32
    %dma_wait3A_823 = arith.constant 512 : i32
    %dma_wait3A_824 = arith.constant 0 : i32
    %dma_wait3A_825 = tpu.memref_slice %arg1[%dma_wait3A_822, %dma_wait3A_823, %dma_wait3A_824] : memref<32x1024x768xf32, #tpu.memory_space<any>> -> memref<1x512x768xf32, #tpu.memory_space<any>>
    %dma_wait3A_826 = tpu.memref_squeeze %dma_wait3A_825 : memref<1x512x768xf32, #tpu.memory_space<any>> -> memref<512x768xf32, #tpu.memory_space<any>>
    %dma_wait3A_827 = arith.constant 512 : i32
    %dma_wait3A_828 = arith.constant 0 : i32
    %dma_wait3A_829 = tpu.memref_slice %arg0[%dma_wait3A_827, %dma_wait3A_828] : memref<1024x768xf32, #tpu.memory_space<vmem>> -> memref<512x768xf32, #tpu.memory_space<vmem>>
    tpu.wait_dma2 semaphore(%arg3 : memref<!tpu.dma_semaphore, #tpu.memory_space<semaphore_mem>>) src(%dma_wait3A_829 : memref<512x768xf32, #tpu.memory_space<vmem>>) dst(%dma_wait3A_826 : memref<512x768xf32, #tpu.memory_space<any>>)
    %dma_wait3A_830 = arith.constant 20 : i32
    %dma_wait3A_831 = arith.constant 0 : i32
    %dma_wait3A_832 = arith.constant 0 : i32
    %dma_wait3A_833 = tpu.memref_slice %arg1[%dma_wait3A_830, %dma_wait3A_831, %dma_wait3A_832] : memref<32x1024x768xf32, #tpu.memory_space<any>> -> memref<1x512x768xf32, #tpu.memory_space<any>>
    %dma_wait3A_834 = tpu.memref_squeeze %dma_wait3A_833 : memref<1x512x768xf32, #tpu.memory_space<any>> -> memref<512x768xf32, #tpu.memory_space<any>>
    %dma_wait3A_835 = arith.constant 0 : i32
    %dma_wait3A_836 = arith.constant 0 : i32
    %dma_wait3A_837 = tpu.memref_slice %arg0[%dma_wait3A_835, %dma_wait3A_836] : memref<1024x768xf32, #tpu.memory_space<vmem>> -> memref<512x768xf32, #tpu.memory_space<vmem>>
    tpu.wait_dma2 semaphore(%arg2 : memref<!tpu.dma_semaphore, #tpu.memory_space<semaphore_mem>>) src(%dma_wait3A_837 : memref<512x768xf32, #tpu.memory_space<vmem>>) dst(%dma_wait3A_834 : memref<512x768xf32, #tpu.memory_space<any>>)
    %dma_wait3A_838 = arith.constant 20 : i32
    %dma_wait3A_839 = arith.constant 512 : i32
    %dma_wait3A_840 = arith.constant 0 : i32
    %dma_wait3A_841 = tpu.memref_slice %arg1[%dma_wait3A_838, %dma_wait3A_839, %dma_wait3A_840] : memref<32x1024x768xf32, #tpu.memory_space<any>> -> memref<1x512x768xf32, #tpu.memory_space<any>>
    %dma_wait3A_842 = tpu.memref_squeeze %dma_wait3A_841 : memref<1x512x768xf32, #tpu.memory_space<any>> -> memref<512x768xf32, #tpu.memory_space<any>>
    %dma_wait3A_843 = arith.constant 512 : i32
    %dma_wait3A_844 = arith.constant 0 : i32
    %dma_wait3A_845 = tpu.memref_slice %arg0[%dma_wait3A_843, %dma_wait3A_844] : memref<1024x768xf32, #tpu.memory_space<vmem>> -> memref<512x768xf32, #tpu.memory_space<vmem>>
    tpu.wait_dma2 semaphore(%arg3 : memref<!tpu.dma_semaphore, #tpu.memory_space<semaphore_mem>>) src(%dma_wait3A_845 : memref<512x768xf32, #tpu.memory_space<vmem>>) dst(%dma_wait3A_842 : memref<512x768xf32, #tpu.memory_space<any>>)
    %dma_wait3A_846 = arith.constant 21 : i32
    %dma_wait3A_847 = arith.constant 0 : i32
    %dma_wait3A_848 = arith.constant 0 : i32
    %dma_wait3A_849 = tpu.memref_slice %arg1[%dma_wait3A_846, %dma_wait3A_847, %dma_wait3A_848] : memref<32x1024x768xf32, #tpu.memory_space<any>> -> memref<1x512x768xf32, #tpu.memory_space<any>>
    %dma_wait3A_850 = tpu.memref_squeeze %dma_wait3A_849 : memref<1x512x768xf32, #tpu.memory_space<any>> -> memref<512x768xf32, #tpu.memory_space<any>>
    %dma_wait3A_851 = arith.constant 0 : i32
    %dma_wait3A_852 = arith.constant 0 : i32
    %dma_wait3A_853 = tpu.memref_slice %arg0[%dma_wait3A_851, %dma_wait3A_852] : memref<1024x768xf32, #tpu.memory_space<vmem>> -> memref<512x768xf32, #tpu.memory_space<vmem>>
    tpu.wait_dma2 semaphore(%arg2 : memref<!tpu.dma_semaphore, #tpu.memory_space<semaphore_mem>>) src(%dma_wait3A_853 : memref<512x768xf32, #tpu.memory_space<vmem>>) dst(%dma_wait3A_850 : memref<512x768xf32, #tpu.memory_space<any>>)
    %dma_wait3A_854 = arith.constant 21 : i32
    %dma_wait3A_855 = arith.constant 512 : i32
    %dma_wait3A_856 = arith.constant 0 : i32
    %dma_wait3A_857 = tpu.memref_slice %arg1[%dma_wait3A_854, %dma_wait3A_855, %dma_wait3A_856] : memref<32x1024x768xf32, #tpu.memory_space<any>> -> memref<1x512x768xf32, #tpu.memory_space<any>>
    %dma_wait3A_858 = tpu.memref_squeeze %dma_wait3A_857 : memref<1x512x768xf32, #tpu.memory_space<any>> -> memref<512x768xf32, #tpu.memory_space<any>>
    %dma_wait3A_859 = arith.constant 512 : i32
    %dma_wait3A_860 = arith.constant 0 : i32
    %dma_wait3A_861 = tpu.memref_slice %arg0[%dma_wait3A_859, %dma_wait3A_860] : memref<1024x768xf32, #tpu.memory_space<vmem>> -> memref<512x768xf32, #tpu.memory_space<vmem>>
    tpu.wait_dma2 semaphore(%arg3 : memref<!tpu.dma_semaphore, #tpu.memory_space<semaphore_mem>>) src(%dma_wait3A_861 : memref<512x768xf32, #tpu.memory_space<vmem>>) dst(%dma_wait3A_858 : memref<512x768xf32, #tpu.memory_space<any>>)
    %dma_wait3A_862 = arith.constant 22 : i32
    %dma_wait3A_863 = arith.constant 0 : i32
    %dma_wait3A_864 = arith.constant 0 : i32
    %dma_wait3A_865 = tpu.memref_slice %arg1[%dma_wait3A_862, %dma_wait3A_863, %dma_wait3A_864] : memref<32x1024x768xf32, #tpu.memory_space<any>> -> memref<1x512x768xf32, #tpu.memory_space<any>>
    %dma_wait3A_866 = tpu.memref_squeeze %dma_wait3A_865 : memref<1x512x768xf32, #tpu.memory_space<any>> -> memref<512x768xf32, #tpu.memory_space<any>>
    %dma_wait3A_867 = arith.constant 0 : i32
    %dma_wait3A_868 = arith.constant 0 : i32
    %dma_wait3A_869 = tpu.memref_slice %arg0[%dma_wait3A_867, %dma_wait3A_868] : memref<1024x768xf32, #tpu.memory_space<vmem>> -> memref<512x768xf32, #tpu.memory_space<vmem>>
    tpu.wait_dma2 semaphore(%arg2 : memref<!tpu.dma_semaphore, #tpu.memory_space<semaphore_mem>>) src(%dma_wait3A_869 : memref<512x768xf32, #tpu.memory_space<vmem>>) dst(%dma_wait3A_866 : memref<512x768xf32, #tpu.memory_space<any>>)
    %dma_wait3A_870 = arith.constant 22 : i32
    %dma_wait3A_871 = arith.constant 512 : i32
    %dma_wait3A_872 = arith.constant 0 : i32
    %dma_wait3A_873 = tpu.memref_slice %arg1[%dma_wait3A_870, %dma_wait3A_871, %dma_wait3A_872] : memref<32x1024x768xf32, #tpu.memory_space<any>> -> memref<1x512x768xf32, #tpu.memory_space<any>>
    %dma_wait3A_874 = tpu.memref_squeeze %dma_wait3A_873 : memref<1x512x768xf32, #tpu.memory_space<any>> -> memref<512x768xf32, #tpu.memory_space<any>>
    %dma_wait3A_875 = arith.constant 512 : i32
    %dma_wait3A_876 = arith.constant 0 : i32
    %dma_wait3A_877 = tpu.memref_slice %arg0[%dma_wait3A_875, %dma_wait3A_876] : memref<1024x768xf32, #tpu.memory_space<vmem>> -> memref<512x768xf32, #tpu.memory_space<vmem>>
    tpu.wait_dma2 semaphore(%arg3 : memref<!tpu.dma_semaphore, #tpu.memory_space<semaphore_mem>>) src(%dma_wait3A_877 : memref<512x768xf32, #tpu.memory_space<vmem>>) dst(%dma_wait3A_874 : memref<512x768xf32, #tpu.memory_space<any>>)
    %dma_wait3A_878 = arith.constant 23 : i32
    %dma_wait3A_879 = arith.constant 0 : i32
    %dma_wait3A_880 = arith.constant 0 : i32
    %dma_wait3A_881 = tpu.memref_slice %arg1[%dma_wait3A_878, %dma_wait3A_879, %dma_wait3A_880] : memref<32x1024x768xf32, #tpu.memory_space<any>> -> memref<1x512x768xf32, #tpu.memory_space<any>>
    %dma_wait3A_882 = tpu.memref_squeeze %dma_wait3A_881 : memref<1x512x768xf32, #tpu.memory_space<any>> -> memref<512x768xf32, #tpu.memory_space<any>>
    %dma_wait3A_883 = arith.constant 0 : i32
    %dma_wait3A_884 = arith.constant 0 : i32
    %dma_wait3A_885 = tpu.memref_slice %arg0[%dma_wait3A_883, %dma_wait3A_884] : memref<1024x768xf32, #tpu.memory_space<vmem>> -> memref<512x768xf32, #tpu.memory_space<vmem>>
    tpu.wait_dma2 semaphore(%arg2 : memref<!tpu.dma_semaphore, #tpu.memory_space<semaphore_mem>>) src(%dma_wait3A_885 : memref<512x768xf32, #tpu.memory_space<vmem>>) dst(%dma_wait3A_882 : memref<512x768xf32, #tpu.memory_space<any>>)
    %dma_wait3A_886 = arith.constant 23 : i32
    %dma_wait3A_887 = arith.constant 512 : i32
    %dma_wait3A_888 = arith.constant 0 : i32
    %dma_wait3A_889 = tpu.memref_slice %arg1[%dma_wait3A_886, %dma_wait3A_887, %dma_wait3A_888] : memref<32x1024x768xf32, #tpu.memory_space<any>> -> memref<1x512x768xf32, #tpu.memory_space<any>>
    %dma_wait3A_890 = tpu.memref_squeeze %dma_wait3A_889 : memref<1x512x768xf32, #tpu.memory_space<any>> -> memref<512x768xf32, #tpu.memory_space<any>>
    %dma_wait3A_891 = arith.constant 512 : i32
    %dma_wait3A_892 = arith.constant 0 : i32
    %dma_wait3A_893 = tpu.memref_slice %arg0[%dma_wait3A_891, %dma_wait3A_892] : memref<1024x768xf32, #tpu.memory_space<vmem>> -> memref<512x768xf32, #tpu.memory_space<vmem>>
    tpu.wait_dma2 semaphore(%arg3 : memref<!tpu.dma_semaphore, #tpu.memory_space<semaphore_mem>>) src(%dma_wait3A_893 : memref<512x768xf32, #tpu.memory_space<vmem>>) dst(%dma_wait3A_890 : memref<512x768xf32, #tpu.memory_space<any>>)
    %dma_wait3A_894 = arith.constant 24 : i32
    %dma_wait3A_895 = arith.constant 0 : i32
    %dma_wait3A_896 = arith.constant 0 : i32
    %dma_wait3A_897 = tpu.memref_slice %arg1[%dma_wait3A_894, %dma_wait3A_895, %dma_wait3A_896] : memref<32x1024x768xf32, #tpu.memory_space<any>> -> memref<1x512x768xf32, #tpu.memory_space<any>>
    %dma_wait3A_898 = tpu.memref_squeeze %dma_wait3A_897 : memref<1x512x768xf32, #tpu.memory_space<any>> -> memref<512x768xf32, #tpu.memory_space<any>>
    %dma_wait3A_899 = arith.constant 0 : i32
    %dma_wait3A_900 = arith.constant 0 : i32
    %dma_wait3A_901 = tpu.memref_slice %arg0[%dma_wait3A_899, %dma_wait3A_900] : memref<1024x768xf32, #tpu.memory_space<vmem>> -> memref<512x768xf32, #tpu.memory_space<vmem>>
    tpu.wait_dma2 semaphore(%arg2 : memref<!tpu.dma_semaphore, #tpu.memory_space<semaphore_mem>>) src(%dma_wait3A_901 : memref<512x768xf32, #tpu.memory_space<vmem>>) dst(%dma_wait3A_898 : memref<512x768xf32, #tpu.memory_space<any>>)
    %dma_wait3A_902 = arith.constant 24 : i32
    %dma_wait3A_903 = arith.constant 512 : i32
    %dma_wait3A_904 = arith.constant 0 : i32
    %dma_wait3A_905 = tpu.memref_slice %arg1[%dma_wait3A_902, %dma_wait3A_903, %dma_wait3A_904] : memref<32x1024x768xf32, #tpu.memory_space<any>> -> memref<1x512x768xf32, #tpu.memory_space<any>>
    %dma_wait3A_906 = tpu.memref_squeeze %dma_wait3A_905 : memref<1x512x768xf32, #tpu.memory_space<any>> -> memref<512x768xf32, #tpu.memory_space<any>>
    %dma_wait3A_907 = arith.constant 512 : i32
    %dma_wait3A_908 = arith.constant 0 : i32
    %dma_wait3A_909 = tpu.memref_slice %arg0[%dma_wait3A_907, %dma_wait3A_908] : memref<1024x768xf32, #tpu.memory_space<vmem>> -> memref<512x768xf32, #tpu.memory_space<vmem>>
    tpu.wait_dma2 semaphore(%arg3 : memref<!tpu.dma_semaphore, #tpu.memory_space<semaphore_mem>>) src(%dma_wait3A_909 : memref<512x768xf32, #tpu.memory_space<vmem>>) dst(%dma_wait3A_906 : memref<512x768xf32, #tpu.memory_space<any>>)
    %dma_wait3A_910 = arith.constant 25 : i32
    %dma_wait3A_911 = arith.constant 0 : i32
    %dma_wait3A_912 = arith.constant 0 : i32
    %dma_wait3A_913 = tpu.memref_slice %arg1[%dma_wait3A_910, %dma_wait3A_911, %dma_wait3A_912] : memref<32x1024x768xf32, #tpu.memory_space<any>> -> memref<1x512x768xf32, #tpu.memory_space<any>>
    %dma_wait3A_914 = tpu.memref_squeeze %dma_wait3A_913 : memref<1x512x768xf32, #tpu.memory_space<any>> -> memref<512x768xf32, #tpu.memory_space<any>>
    %dma_wait3A_915 = arith.constant 0 : i32
    %dma_wait3A_916 = arith.constant 0 : i32
    %dma_wait3A_917 = tpu.memref_slice %arg0[%dma_wait3A_915, %dma_wait3A_916] : memref<1024x768xf32, #tpu.memory_space<vmem>> -> memref<512x768xf32, #tpu.memory_space<vmem>>
    tpu.wait_dma2 semaphore(%arg2 : memref<!tpu.dma_semaphore, #tpu.memory_space<semaphore_mem>>) src(%dma_wait3A_917 : memref<512x768xf32, #tpu.memory_space<vmem>>) dst(%dma_wait3A_914 : memref<512x768xf32, #tpu.memory_space<any>>)
    %dma_wait3A_918 = arith.constant 25 : i32
    %dma_wait3A_919 = arith.constant 512 : i32
    %dma_wait3A_920 = arith.constant 0 : i32
    %dma_wait3A_921 = tpu.memref_slice %arg1[%dma_wait3A_918, %dma_wait3A_919, %dma_wait3A_920] : memref<32x1024x768xf32, #tpu.memory_space<any>> -> memref<1x512x768xf32, #tpu.memory_space<any>>
    %dma_wait3A_922 = tpu.memref_squeeze %dma_wait3A_921 : memref<1x512x768xf32, #tpu.memory_space<any>> -> memref<512x768xf32, #tpu.memory_space<any>>
    %dma_wait3A_923 = arith.constant 512 : i32
    %dma_wait3A_924 = arith.constant 0 : i32
    %dma_wait3A_925 = tpu.memref_slice %arg0[%dma_wait3A_923, %dma_wait3A_924] : memref<1024x768xf32, #tpu.memory_space<vmem>> -> memref<512x768xf32, #tpu.memory_space<vmem>>
    tpu.wait_dma2 semaphore(%arg3 : memref<!tpu.dma_semaphore, #tpu.memory_space<semaphore_mem>>) src(%dma_wait3A_925 : memref<512x768xf32, #tpu.memory_space<vmem>>) dst(%dma_wait3A_922 : memref<512x768xf32, #tpu.memory_space<any>>)
    %dma_wait3A_926 = arith.constant 26 : i32
    %dma_wait3A_927 = arith.constant 0 : i32
    %dma_wait3A_928 = arith.constant 0 : i32
    %dma_wait3A_929 = tpu.memref_slice %arg1[%dma_wait3A_926, %dma_wait3A_927, %dma_wait3A_928] : memref<32x1024x768xf32, #tpu.memory_space<any>> -> memref<1x512x768xf32, #tpu.memory_space<any>>
    %dma_wait3A_930 = tpu.memref_squeeze %dma_wait3A_929 : memref<1x512x768xf32, #tpu.memory_space<any>> -> memref<512x768xf32, #tpu.memory_space<any>>
    %dma_wait3A_931 = arith.constant 0 : i32
    %dma_wait3A_932 = arith.constant 0 : i32
    %dma_wait3A_933 = tpu.memref_slice %arg0[%dma_wait3A_931, %dma_wait3A_932] : memref<1024x768xf32, #tpu.memory_space<vmem>> -> memref<512x768xf32, #tpu.memory_space<vmem>>
    tpu.wait_dma2 semaphore(%arg2 : memref<!tpu.dma_semaphore, #tpu.memory_space<semaphore_mem>>) src(%dma_wait3A_933 : memref<512x768xf32, #tpu.memory_space<vmem>>) dst(%dma_wait3A_930 : memref<512x768xf32, #tpu.memory_space<any>>)
    %dma_wait3A_934 = arith.constant 26 : i32
    %dma_wait3A_935 = arith.constant 512 : i32
    %dma_wait3A_936 = arith.constant 0 : i32
    %dma_wait3A_937 = tpu.memref_slice %arg1[%dma_wait3A_934, %dma_wait3A_935, %dma_wait3A_936] : memref<32x1024x768xf32, #tpu.memory_space<any>> -> memref<1x512x768xf32, #tpu.memory_space<any>>
    %dma_wait3A_938 = tpu.memref_squeeze %dma_wait3A_937 : memref<1x512x768xf32, #tpu.memory_space<any>> -> memref<512x768xf32, #tpu.memory_space<any>>
    %dma_wait3A_939 = arith.constant 512 : i32
    %dma_wait3A_940 = arith.constant 0 : i32
    %dma_wait3A_941 = tpu.memref_slice %arg0[%dma_wait3A_939, %dma_wait3A_940] : memref<1024x768xf32, #tpu.memory_space<vmem>> -> memref<512x768xf32, #tpu.memory_space<vmem>>
    tpu.wait_dma2 semaphore(%arg3 : memref<!tpu.dma_semaphore, #tpu.memory_space<semaphore_mem>>) src(%dma_wait3A_941 : memref<512x768xf32, #tpu.memory_space<vmem>>) dst(%dma_wait3A_938 : memref<512x768xf32, #tpu.memory_space<any>>)
    %dma_wait3A_942 = arith.constant 27 : i32
    %dma_wait3A_943 = arith.constant 0 : i32
    %dma_wait3A_944 = arith.constant 0 : i32
    %dma_wait3A_945 = tpu.memref_slice %arg1[%dma_wait3A_942, %dma_wait3A_943, %dma_wait3A_944] : memref<32x1024x768xf32, #tpu.memory_space<any>> -> memref<1x512x768xf32, #tpu.memory_space<any>>
    %dma_wait3A_946 = tpu.memref_squeeze %dma_wait3A_945 : memref<1x512x768xf32, #tpu.memory_space<any>> -> memref<512x768xf32, #tpu.memory_space<any>>
    %dma_wait3A_947 = arith.constant 0 : i32
    %dma_wait3A_948 = arith.constant 0 : i32
    %dma_wait3A_949 = tpu.memref_slice %arg0[%dma_wait3A_947, %dma_wait3A_948] : memref<1024x768xf32, #tpu.memory_space<vmem>> -> memref<512x768xf32, #tpu.memory_space<vmem>>
    tpu.wait_dma2 semaphore(%arg2 : memref<!tpu.dma_semaphore, #tpu.memory_space<semaphore_mem>>) src(%dma_wait3A_949 : memref<512x768xf32, #tpu.memory_space<vmem>>) dst(%dma_wait3A_946 : memref<512x768xf32, #tpu.memory_space<any>>)
    %dma_wait3A_950 = arith.constant 27 : i32
    %dma_wait3A_951 = arith.constant 512 : i32
    %dma_wait3A_952 = arith.constant 0 : i32
    %dma_wait3A_953 = tpu.memref_slice %arg1[%dma_wait3A_950, %dma_wait3A_951, %dma_wait3A_952] : memref<32x1024x768xf32, #tpu.memory_space<any>> -> memref<1x512x768xf32, #tpu.memory_space<any>>
    %dma_wait3A_954 = tpu.memref_squeeze %dma_wait3A_953 : memref<1x512x768xf32, #tpu.memory_space<any>> -> memref<512x768xf32, #tpu.memory_space<any>>
    %dma_wait3A_955 = arith.constant 512 : i32
    %dma_wait3A_956 = arith.constant 0 : i32
    %dma_wait3A_957 = tpu.memref_slice %arg0[%dma_wait3A_955, %dma_wait3A_956] : memref<1024x768xf32, #tpu.memory_space<vmem>> -> memref<512x768xf32, #tpu.memory_space<vmem>>
    tpu.wait_dma2 semaphore(%arg3 : memref<!tpu.dma_semaphore, #tpu.memory_space<semaphore_mem>>) src(%dma_wait3A_957 : memref<512x768xf32, #tpu.memory_space<vmem>>) dst(%dma_wait3A_954 : memref<512x768xf32, #tpu.memory_space<any>>)
    %dma_wait3A_958 = arith.constant 28 : i32
    %dma_wait3A_959 = arith.constant 0 : i32
    %dma_wait3A_960 = arith.constant 0 : i32
    %dma_wait3A_961 = tpu.memref_slice %arg1[%dma_wait3A_958, %dma_wait3A_959, %dma_wait3A_960] : memref<32x1024x768xf32, #tpu.memory_space<any>> -> memref<1x512x768xf32, #tpu.memory_space<any>>
    %dma_wait3A_962 = tpu.memref_squeeze %dma_wait3A_961 : memref<1x512x768xf32, #tpu.memory_space<any>> -> memref<512x768xf32, #tpu.memory_space<any>>
    %dma_wait3A_963 = arith.constant 0 : i32
    %dma_wait3A_964 = arith.constant 0 : i32
    %dma_wait3A_965 = tpu.memref_slice %arg0[%dma_wait3A_963, %dma_wait3A_964] : memref<1024x768xf32, #tpu.memory_space<vmem>> -> memref<512x768xf32, #tpu.memory_space<vmem>>
    tpu.wait_dma2 semaphore(%arg2 : memref<!tpu.dma_semaphore, #tpu.memory_space<semaphore_mem>>) src(%dma_wait3A_965 : memref<512x768xf32, #tpu.memory_space<vmem>>) dst(%dma_wait3A_962 : memref<512x768xf32, #tpu.memory_space<any>>)
    %dma_wait3A_966 = arith.constant 28 : i32
    %dma_wait3A_967 = arith.constant 512 : i32
    %dma_wait3A_968 = arith.constant 0 : i32
    %dma_wait3A_969 = tpu.memref_slice %arg1[%dma_wait3A_966, %dma_wait3A_967, %dma_wait3A_968] : memref<32x1024x768xf32, #tpu.memory_space<any>> -> memref<1x512x768xf32, #tpu.memory_space<any>>
    %dma_wait3A_970 = tpu.memref_squeeze %dma_wait3A_969 : memref<1x512x768xf32, #tpu.memory_space<any>> -> memref<512x768xf32, #tpu.memory_space<any>>
    %dma_wait3A_971 = arith.constant 512 : i32
    %dma_wait3A_972 = arith.constant 0 : i32
    %dma_wait3A_973 = tpu.memref_slice %arg0[%dma_wait3A_971, %dma_wait3A_972] : memref<1024x768xf32, #tpu.memory_space<vmem>> -> memref<512x768xf32, #tpu.memory_space<vmem>>
    tpu.wait_dma2 semaphore(%arg3 : memref<!tpu.dma_semaphore, #tpu.memory_space<semaphore_mem>>) src(%dma_wait3A_973 : memref<512x768xf32, #tpu.memory_space<vmem>>) dst(%dma_wait3A_970 : memref<512x768xf32, #tpu.memory_space<any>>)
    %dma_wait3A_974 = arith.constant 29 : i32
    %dma_wait3A_975 = arith.constant 0 : i32
    %dma_wait3A_976 = arith.constant 0 : i32
    %dma_wait3A_977 = tpu.memref_slice %arg1[%dma_wait3A_974, %dma_wait3A_975, %dma_wait3A_976] : memref<32x1024x768xf32, #tpu.memory_space<any>> -> memref<1x512x768xf32, #tpu.memory_space<any>>
    %dma_wait3A_978 = tpu.memref_squeeze %dma_wait3A_977 : memref<1x512x768xf32, #tpu.memory_space<any>> -> memref<512x768xf32, #tpu.memory_space<any>>
    %dma_wait3A_979 = arith.constant 0 : i32
    %dma_wait3A_980 = arith.constant 0 : i32
    %dma_wait3A_981 = tpu.memref_slice %arg0[%dma_wait3A_979, %dma_wait3A_980] : memref<1024x768xf32, #tpu.memory_space<vmem>> -> memref<512x768xf32, #tpu.memory_space<vmem>>
    tpu.wait_dma2 semaphore(%arg2 : memref<!tpu.dma_semaphore, #tpu.memory_space<semaphore_mem>>) src(%dma_wait3A_981 : memref<512x768xf32, #tpu.memory_space<vmem>>) dst(%dma_wait3A_978 : memref<512x768xf32, #tpu.memory_space<any>>)
    %dma_wait3A_982 = arith.constant 29 : i32
    %dma_wait3A_983 = arith.constant 512 : i32
    %dma_wait3A_984 = arith.constant 0 : i32
    %dma_wait3A_985 = tpu.memref_slice %arg1[%dma_wait3A_982, %dma_wait3A_983, %dma_wait3A_984] : memref<32x1024x768xf32, #tpu.memory_space<any>> -> memref<1x512x768xf32, #tpu.memory_space<any>>
    %dma_wait3A_986 = tpu.memref_squeeze %dma_wait3A_985 : memref<1x512x768xf32, #tpu.memory_space<any>> -> memref<512x768xf32, #tpu.memory_space<any>>
    %dma_wait3A_987 = arith.constant 512 : i32
    %dma_wait3A_988 = arith.constant 0 : i32
    %dma_wait3A_989 = tpu.memref_slice %arg0[%dma_wait3A_987, %dma_wait3A_988] : memref<1024x768xf32, #tpu.memory_space<vmem>> -> memref<512x768xf32, #tpu.memory_space<vmem>>
    tpu.wait_dma2 semaphore(%arg3 : memref<!tpu.dma_semaphore, #tpu.memory_space<semaphore_mem>>) src(%dma_wait3A_989 : memref<512x768xf32, #tpu.memory_space<vmem>>) dst(%dma_wait3A_986 : memref<512x768xf32, #tpu.memory_space<any>>)
    %dma_wait3A_990 = arith.constant 30 : i32
    %dma_wait3A_991 = arith.constant 0 : i32
    %dma_wait3A_992 = arith.constant 0 : i32
    %dma_wait3A_993 = tpu.memref_slice %arg1[%dma_wait3A_990, %dma_wait3A_991, %dma_wait3A_992] : memref<32x1024x768xf32, #tpu.memory_space<any>> -> memref<1x512x768xf32, #tpu.memory_space<any>>
    %dma_wait3A_994 = tpu.memref_squeeze %dma_wait3A_993 : memref<1x512x768xf32, #tpu.memory_space<any>> -> memref<512x768xf32, #tpu.memory_space<any>>
    %dma_wait3A_995 = arith.constant 0 : i32
    %dma_wait3A_996 = arith.constant 0 : i32
    %dma_wait3A_997 = tpu.memref_slice %arg0[%dma_wait3A_995, %dma_wait3A_996] : memref<1024x768xf32, #tpu.memory_space<vmem>> -> memref<512x768xf32, #tpu.memory_space<vmem>>
    tpu.wait_dma2 semaphore(%arg2 : memref<!tpu.dma_semaphore, #tpu.memory_space<semaphore_mem>>) src(%dma_wait3A_997 : memref<512x768xf32, #tpu.memory_space<vmem>>) dst(%dma_wait3A_994 : memref<512x768xf32, #tpu.memory_space<any>>)
    %dma_wait3A_998 = arith.constant 30 : i32
    %dma_wait3A_999 = arith.constant 512 : i32
    %dma_wait3A_1000 = arith.constant 0 : i32
    %dma_wait3A_1001 = tpu.memref_slice %arg1[%dma_wait3A_998, %dma_wait3A_999, %dma_wait3A_1000] : memref<32x1024x768xf32, #tpu.memory_space<any>> -> memref<1x512x768xf32, #tpu.memory_space<any>>
    %dma_wait3A_1002 = tpu.memref_squeeze %dma_wait3A_1001 : memref<1x512x768xf32, #tpu.memory_space<any>> -> memref<512x768xf32, #tpu.memory_space<any>>
    %dma_wait3A_1003 = arith.constant 512 : i32
    %dma_wait3A_1004 = arith.constant 0 : i32
    %dma_wait3A_1005 = tpu.memref_slice %arg0[%dma_wait3A_1003, %dma_wait3A_1004] : memref<1024x768xf32, #tpu.memory_space<vmem>> -> memref<512x768xf32, #tpu.memory_space<vmem>>
    tpu.wait_dma2 semaphore(%arg3 : memref<!tpu.dma_semaphore, #tpu.memory_space<semaphore_mem>>) src(%dma_wait3A_1005 : memref<512x768xf32, #tpu.memory_space<vmem>>) dst(%dma_wait3A_1002 : memref<512x768xf32, #tpu.memory_space<any>>)
    %dma_wait3A_1006 = arith.constant 31 : i32
    %dma_wait3A_1007 = arith.constant 0 : i32
    %dma_wait3A_1008 = arith.constant 0 : i32
    %dma_wait3A_1009 = tpu.memref_slice %arg1[%dma_wait3A_1006, %dma_wait3A_1007, %dma_wait3A_1008] : memref<32x1024x768xf32, #tpu.memory_space<any>> -> memref<1x512x768xf32, #tpu.memory_space<any>>
    %dma_wait3A_1010 = tpu.memref_squeeze %dma_wait3A_1009 : memref<1x512x768xf32, #tpu.memory_space<any>> -> memref<512x768xf32, #tpu.memory_space<any>>
    %dma_wait3A_1011 = arith.constant 0 : i32
    %dma_wait3A_1012 = arith.constant 0 : i32
    %dma_wait3A_1013 = tpu.memref_slice %arg0[%dma_wait3A_1011, %dma_wait3A_1012] : memref<1024x768xf32, #tpu.memory_space<vmem>> -> memref<512x768xf32, #tpu.memory_space<vmem>>
    tpu.wait_dma2 semaphore(%arg2 : memref<!tpu.dma_semaphore, #tpu.memory_space<semaphore_mem>>) src(%dma_wait3A_1013 : memref<512x768xf32, #tpu.memory_space<vmem>>) dst(%dma_wait3A_1010 : memref<512x768xf32, #tpu.memory_space<any>>)
    %dma_wait3A_1014 = arith.constant 31 : i32
    %dma_wait3A_1015 = arith.constant 512 : i32
    %dma_wait3A_1016 = arith.constant 0 : i32
    %dma_wait3A_1017 = tpu.memref_slice %arg1[%dma_wait3A_1014, %dma_wait3A_1015, %dma_wait3A_1016] : memref<32x1024x768xf32, #tpu.memory_space<any>> -> memref<1x512x768xf32, #tpu.memory_space<any>>
    %dma_wait3A_1018 = tpu.memref_squeeze %dma_wait3A_1017 : memref<1x512x768xf32, #tpu.memory_space<any>> -> memref<512x768xf32, #tpu.memory_space<any>>
    %dma_wait3A_1019 = arith.constant 512 : i32
    %dma_wait3A_1020 = arith.constant 0 : i32
    %dma_wait3A_1021 = tpu.memref_slice %arg0[%dma_wait3A_1019, %dma_wait3A_1020] : memref<1024x768xf32, #tpu.memory_space<vmem>> -> memref<512x768xf32, #tpu.memory_space<vmem>>
    tpu.wait_dma2 semaphore(%arg3 : memref<!tpu.dma_semaphore, #tpu.memory_space<semaphore_mem>>) src(%dma_wait3A_1021 : memref<512x768xf32, #tpu.memory_space<vmem>>) dst(%dma_wait3A_1018 : memref<512x768xf32, #tpu.memory_space<any>>)
    return
  }
}

</mosaic_0001>

<sc_bundles>
// kernel: kernel.4.cloned.1.call-start
scs
__scs_entry_jumppad:
0x0: {  	(pc) =	sbr.rel $0x88, $3  }
0x1: {  	(tag) =	ssettag $0x0;
	lr =	simm.s32 $0x1  }
0x2: {  	[smem:$0x3FA0] =	sst lr;
	_ =	strace $0xD0000000  }
0x3: {  	_ = 	snop  }
0x4: {  	_ = 	snop  }
0x5: {  	_ = 	snop  }
0x6: {  	_ = 	snop  }
0x7: {  	_ = 	snop  }
__scs_overlays_trampoline_lowered:
0x8: {  	[smem:$0x3FAF] =	sst s0  }
0x9: {  	[smem:$0x3FB0] =	sst s1  }
0xa: {  	[smem:$0x3FB1] =	sst s2  }
0xb: {  	[smem:$0x3FB2] =	sst s3  }
0xc: {  	[smem:$0x3FB3] =	sst s4  }
0xd: {  	[smem:$0x3FB4] =	sst s5  }
0xe: {  	[smem:$0x3FB5] =	sst s6  }
0xf: {  	[smem:$0x3FB6] =	sst s7  }
0x10: {  	[smem:$0x3FB7] =	sst s8  }
0x11: {  	[smem:$0x3FB8] =	sst s9;
	s0 =	simm.s32 @!p0 $0x0  }
0x12: {  	s1 =	sld [smem:$0x3F9E];
	s0 =	simm.s32 @p0 $0x1  }
0x13: {  	[smem:$0x3FB9] =	sst s0;
	s0 =	simm.s32 @!p1 $0x0  }
0x14: {  	s2 =	sld [smem:$0x3F9D];
	s0 =	simm.s32 @p1 $0x1  }
0x15: {  	[smem:$0x3FBA] =	sst s0;
	s0 =	simm.s32 @!p2 $0x0  }
0x16: {  	s3 =	sld [smem:$0x3FDB];
	s0 =	simm.s32 @p2 $0x1  }
0x17: {  	s4 =	simm.s32 $0x1BF5;
	[smem:$0x3FBC] =	sst s0  }
0x18: {  	s0 =	sld [smem:$0x3F9F];
	_ =	swait.ge [sflag:s4], $0x0  }
0x19: {  	s7 =	sld [smem:$0x3FA0]  }
0x1a: {  	s8 =	sadd.s32 $0xFFFFE003, lr  }
0x1b: {  	s9 =	sadd.s32 $0xFFFFFEF7, lr;
	s5 =	simm.s32 $0xFFFFFFFF;
	p2 =	slt.u32 s8, $0xFFFFF086  }
0x1c: {  	p1 =	slt.u32 s9, $0xF7A;
	s5 =	simm.s32 @!p2 $0x0  }
0x1d: {  	s5 =	simm.s32 @p1 $0x1;
	p0 =	seq.s32 s7, s2  }
0x1e: {  	s7 =	smul.u32 @!p0 $0xF7A, s2;
	p2 =	seq.s32 @!p0 s5, $0x0  }
0x1f: {  	s9 =	smul.u32 $0xF7A, s1;
	s8 =	simm.s32 @!p0 $0x1BF5;
	p2 =	por !p2, p0  }
0x20: {  	[sflag:s8] =	ssyncset.s32 @!p0 $0xFFFFF086;
	s6 =	sadd.s32 @!p0 s3, s7;
	s7 =	simm.s32 @!p0 $0x108  }
0x21: {  	s3 =	sadd.s32 s3, s9;
	s6 =	sadd.s32 @!p0 $0x88, s6;
	s7 =	simm.s32 @p2 $0x1082  }
0x22: {  	[simem:s7], [sflag:s8] =	dma.local @!p0 [hbm:s6], $0xF7A  }
0x23: {  	s9 =	sor.u32 $0xD0000000, s2;
	s6 =	simm.s32 $0x108;
	_ =	swait.ge @!p0 [sflag:s8], $0x0  }
0x24: {  	s3 =	sadd.s32 $0x88, s3;
	s6 =	simm.s32 @!p1 $0x1082;
	[sflag:s4] =	ssyncset.s32 $0xFFFFF086  }
0x25: {  	[simem:s6], [sflag:s4] =	dma.local [hbm:s3], $0xF7A  }
0x26: {  	[smem:$0x3FA0] =	sst s1;
	(tag) =	ssettag s2;
	_ =	strace s9  }
0x27: {  	s1 =	sld [smem:$0x3FB0]  }
0x28: {  	s2 =	sld [smem:$0x3FB1]  }
0x29: {  	s4 =	sld [smem:$0x3FB3]  }
0x2a: {  	p0 =	seq.s32 s5, $0x0;
	s5 =	sld [smem:$0x3FB4]  }
0x2b: {  	s6 =	sld [smem:$0x3FB5]  }
0x2c: {  	s7 =	sld [smem:$0x3FB6]  }
0x2d: {  	s3 =	simm.s32 $0x108;
	s8 =	sld [smem:$0x3FB7]  }
0x2e: {  	s3 =	simm.s32 @!p0 $0x1082;
	s9 =	sld [smem:$0x3FB8]  }
0x2f: {  	lr =	sadd.s32 s0, s3;
	s0 =	sld [smem:$0x3FAF]  }
0x30: {  	s3 =	sld [smem:$0x3FB2]  }
0x31: {  	[smem:$0x3FBB] =	sst s10  }
0x32: {  	s10 =	sld [smem:$0x3FB9];
	_ =	sdelay $0x3  }
0x33: {  	p0 =	seq.s32 s10, $0x1;
	s10 =	sld [smem:$0x3FBB];
	_ =	sdelay $0x3  }
0x34: {  	[smem:$0x3FBB] =	sst s10  }
0x35: {  	s10 =	sld [smem:$0x3FBA];
	_ =	sdelay $0x3  }
0x36: {  	p1 =	seq.s32 s10, $0x1;
	s10 =	sld [smem:$0x3FBB];
	_ =	sdelay $0x3  }
0x37: {  	[smem:$0x3FBB] =	sst s10  }
0x38: {  	s10 =	sld [smem:$0x3FBC]  }
0x39: {  	_ = 	snop;
	(pc) =	sbr.ind lr, $3  }
0x3a: {  	_ = 	snop  }
0x3b: {  	_ = 	snop  }
0x3c: {  	p2 =	seq.s32 s10, $0x1;
	s10 =	sld [smem:$0x3FBB]  }
0x3d: {  	_ =	shalt  }
0x3e: {  	_ =	shalt  }
0x3f: {  	_ =	shalt  }
0x40: {  	_ =	shalt  }
0x41: {  	_ =	shalt  }
0x42: {  	_ =	shalt  }
0x43: {  	_ =	shalt  }
0x44: {  	_ =	shalt  }
0x45: {  	_ =	shalt  }
0x46: {  	_ =	shalt  }
0x47: {  	_ =	shalt  }
0x48: {  	_ =	shalt  }
0x49: {  	_ =	shalt  }
0x4a: {  	_ =	shalt  }
0x4b: {  	_ =	shalt  }
0x4c: {  	_ =	shalt  }
0x4d: {  	_ =	shalt  }
0x4e: {  	_ =	shalt  }
0x4f: {  	_ =	shalt  }
0x50: {  	_ =	shalt  }
0x51: {  	_ =	shalt  }
0x52: {  	_ =	shalt  }
0x53: {  	_ =	shalt  }
0x54: {  	_ =	shalt  }
0x55: {  	_ =	shalt  }
0x56: {  	_ =	shalt  }
0x57: {  	_ =	shalt  }
0x58: {  	_ =	shalt  }
0x59: {  	_ =	shalt  }
0x5a: {  	_ =	shalt  }
0x5b: {  	_ =	shalt  }
0x5c: {  	_ =	shalt  }
0x5d: {  	_ =	shalt  }
0x5e: {  	_ =	shalt  }
0x5f: {  	_ =	shalt  }
0x60: {  	_ =	shalt  }
0x61: {  	_ =	shalt  }
0x62: {  	_ =	shalt  }
0x63: {  	_ =	shalt  }
0x64: {  	_ =	shalt  }
0x65: {  	_ =	shalt  }
0x66: {  	_ =	shalt  }
0x67: {  	_ =	shalt  }
0x68: {  	_ =	shalt  }
0x69: {  	_ =	shalt  }
0x6a: {  	_ =	shalt  }
0x6b: {  	_ =	shalt  }
0x6c: {  	_ =	shalt  }
0x6d: {  	_ =	shalt  }
0x6e: {  	_ =	shalt  }
0x6f: {  	_ =	shalt  }
0x70: {  	_ =	shalt  }
0x71: {  	_ =	shalt  }
0x72: {  	_ =	shalt  }
0x73: {  	_ =	shalt  }
0x74: {  	_ =	shalt  }
0x75: {  	_ =	shalt  }
0x76: {  	_ =	shalt  }
0x77: {  	_ =	shalt  }
0x78: {  	_ =	shalt  }
0x79: {  	_ =	shalt  }
0x7a: {  	_ =	shalt  }
0x7b: {  	_ =	shalt  }
0x7c: {  	_ =	shalt  }
0x7d: {  	_ =	shalt  }
0x7e: {  	_ =	shalt  }
0x7f: {  	_ =	shalt  }
0x80: {  	_ =	shalt  }
0x81: {  	_ =	shalt  }
0x82: {  	_ =	shalt  }
0x83: {  	_ =	shalt  }
0x84: {  	_ =	shalt  }
0x85: {  	_ =	shalt  }
0x86: {  	_ =	shalt  }
0x87: {  	_ =	shalt  }
.Lfunc_end0:
.L_simem_size_0:
called_computation_lowered:
.L_overlay_start_0:
0x88: {  	s2 =	sld [smem:$0x3FD9]  }
0x89: {  	s3 =	sld [smem:$0x3FFE];
	_ =	sdelay $0x1  }
0x8a: {  	s1 =	srdreg.scid  }
0x8b: {  	s0 =	sand.u32 $0x1, s1  }
0x8c: {  	s18 =	sshll.u32 s0, $0xA;
	s2 =	sadd.s32 s3, s2  }
0x8d: {  	s2 =	sadd.s32 s2, s18  }
0x8e: {  	[smem:$0x3FC7] =	sst s2  }
0x8f: {  	_ = 	snop  }
0x90: {  	s2 =	sld [smem:$0x3FC9]  }
0x91: {  	s19 =	sld [smem:$0x3FD0];
	(tm) =	ssettm $0x1  }
0x92: {  	s4 =	sld [smem:$0x3FFB];
	_ =	sdelay $0x3  }
0x93: {  	_ =	strace s4  }
0x94: {  	s4 =	sld [smem:$0x3FFC];
	_ =	sdelay $0x3  }
0x95: {  	_ =	strace s4  }
0x96: {  	s4 =	sld [smem:$0x3FFD];
	_ =	sdelay $0x3  }
0x97: {  	_ =	strace s4  }
0x98: {  	_ =	strace $0x8FFFFFFF  }
0x99: {  	s20 =	sld [smem:$0x3FDB];
	_ =	sdelay $0x1  }
0x9a: {  	s5 =	simm.s32 $_scs_section_size  }
0x9b: {  	s6 =	simm.s32 $_size__tile_overlayer_lowered;
	s7 =	simm.s32 $_tile_overlayer_lowered  }
0x9c: {  	s23 =	simm.s32 $0x1BFF;
	s22 =	sshll.u32 s7, $0x1;
	s4 =	sadd.s32 s5, s20  }
0x9d: {  	s8 =	simm.s32 $0x0;
	s21 =	sshll.u32 s6, $0x1;
	s6 =	sadd.s32 s22, s4  }
0x9e: {  	[timem:s8], [sflag:s23] =	dma.local [hbm:s6], s21  }
0x9f: {  	_ =	swait.ge [sflag:s23], s21  }
0xa0: {  	s5 =	ssub.s32 $0x0, s21;
	[sflag:s23] =	ssyncset.done $0x0  }
0xa1: {  	[sflag:s23] =	ssyncadd.s32 s5;
	_ =	sdelay $0x1  }
0xa2: {  	s24 =	simm.s32 $0x1B8B  }
0xa3: {  	_ =	swait.ge [sflag:s24], $0x1  }
0xa4: {  	[sflag:s24] =	ssyncset.done $0x0  }
0xa5: {  	s25 =	simm.s32 $0x1B8E;
	[sflag:s24] =	ssyncadd.s32 $0xFFFFFFFF  }
0xa6: {  	s26 =	simm.s32 $execute0_lowered;
	[smem:$0x3FD2] =	sst s25  }
0xa7: {  	s5 =	sshll.u32 s26, $0x1;
	_ =	strace $0x80000046;
	[dreg:$0x1] =	wrdreg $0xFFFFFFFF  }
0xa8: {  	s28 =	simm.s32 $_size_execute0_lowered;
	s4 =	sadd.s32 s4, s5;
	[dreg:$0x0] =	wrdreg $0x0  }
0xa9: {  	s5 =	sshll.u32 s28, $0x1;
	[dreg:$0x2] =	wrdreg s4  }
0xaa: {  	[dreg:$0x3] =	wrdreg s5  }
0xab: {  	[dreg:$0x4] =	wrdreg $0xC0  }
0xac: {  	_ =	task [dreg:s8], $0x5FFFF  }
0xad: {  	[dreg:$0x1] =	wrdreg $0xFFFFFFFF  }
0xae: {  	[dreg:$0x0] =	wrdreg $0x60  }
0xaf: {  	[dreg:$0x2] =	wrdreg s2  }
0xb0: {  	[dreg:$0x3] =	wrdreg s19  }
0xb1: {  	[dreg:$0x4] =	wrdreg $0x9  }
0xb2: {  	_ =	task.clear_ibuf [dreg:s8], $0x5FFFF;
	_ =	strace $0x90000046  }
0xb3: {  	s29 =	simm.s32 $0x9;
	_ =	strace $0x80000048  }
0xb4: {  	_ =	swait.ge [sflag:s29], $0x1  }
0xb5: {  	[sflag:s29] =	ssyncadd.s32 $0xFFFFFFFF  }
0xb6: {  	_ =	strace $0x90000048  }
0xb7: {  	_ =	sfence  }
0xb8: {  	s30 =	sld [smem:$0x0];
	_ =	sdelay $0x2  }
0xb9: {  	s31 =	sshll.u32 s1, $0xD;
	s1 =	sshrl.u32 s1, $0x2  }
0xba: {  	s3 =	sand.u32 $0x4000, s31;
	s1 =	sadd.s32 s1, s30  }
0xbb: {  	s0 =	sor.u32 s3, s0;
	s1 =	sshll.u32 s1, $0x11  }
0xbc: {  	s0 =	sor.u32 s1, s0  }
0xbd: {  	s0 =	sadd.s32 $0x8F2B, s0  }
0xbe: {  	[sflag:s0] =	ssyncadd.remote.s32 $0x1  }
0xbf: {  	_ =	sfence.sel $0xFFFF  }
0xc0: {  	[dreg:$0x0] =	wrdreg $0xFFFFFFFF;
	(pc) =	sbr.abs _section_cstart, $3  }
0xc1: {  	[dreg:$0x1] =	wrdreg $0xFFFFFFFF  }
0xc2: {  	_ =	task.clear_ibuf [dreg:s8], $0x2FFFF;
	_ =	strace $0x9FFFFFFF  }
0xc3: {  	(tm) =	ssettm $0x7FFFFFFF  }
tec
execute0_lowered:
.L_overlay_start_1:
0x0: {  	(tag) =	ssettag $0x1  }
0x1: {  	s1 =	srdreg.scid  }
0x2: {  	s3 =	rddreg [dreg:$0x0];
	s0 =	stileid.u32;
	s4 =	sand.u32 $0x1, s1  }
0x3: {  	s5 =	rddreg [dreg:$0x1];
	s6 =	sshll.u32 s0, $0x3;
	s7 =	sshll.u32 s4, $0x2  }
0x4: {  	s2 =	simm.s32 $0x0;
	s30 =	ssub.s32 $0x2, s4;
	s6 =	sor.u32 s7, s6  }
0x5: {  	[smem:$0x7FF] =	sst s2;
	s8 =	sshrl.u32 s30, $0x1;
	s6 =	smul.u32 $0x300, s6  }
0x6: {  	s1 =	rddreg [dreg:$0x2];
	_ =	strace $0x80000047;
	s7 =	ssub.s32 s30, s8  }
0x7: {  	s31 =	smax.u32 s7, $0x1;
	s4 =	sadd.s32 s3, s6;
	s3 =	simm.s32 $0x1  }
0x8: {  	[tilespmem:s2], [sflag:$0x1] =	stream.linear.gather [hbm4b:s4+s2], $0x6000, $0x38;
	[tilespmem:$0x6000] =	vst v63  }
0x9: {  	p0 =	sne.s32 s31, $0x1;
	_ =	swait.ge [sflag:s3], $0x6000  }
.Ltmp0:
0xa: {  	[sflag:s3] =	ssyncset.done $0x0;
	(pc) =	sbr.rel @!p0 .LBB2_2-.Ltmp0, $4  }
0xb: {  	s5 =	sadd.s32 s5, s6;
	[sflag:s3] =	ssyncadd.s32 $0xFFFFA000  }
0xc: {  	[hbm4b:s5+s2] =	stream.linear.scatter [tilespmem:s2], [sflag:$0x1], $0x6000, $0x38;
	[tilespmem:$0x6000] =	vst v63  }
0xd: {  	_ =	swait.ge [sflag:s3], $0x6000  }
0xe: {  	s6 =	sadd.s32 $0xFFFFFFFF, s31;
	[sflag:s3] =	ssyncset.done $0x0  }
.LBB2_1:
0xf: {  	p0 =	sne.s32 s6, $0x1;
	s6 =	sadd.s32 $0xFFFFFFFF, s6;
	[sflag:s3] =	ssyncadd.s32 $0xFFFFA000  }
0x10: {  	[tilespmem:s2], [sflag:$0x1] =	stream.linear.gather [hbm4b:s4+s2], $0x6000, $0x38;
	[tilespmem:$0x6000] =	vst v63  }
0x11: {  	_ =	swait.ge [sflag:s3], $0x6000  }
.Ltmp1:
0x12: {  	[sflag:s3] =	ssyncset.done $0x0;
	(pc) =	sbr.rel @p0 .LBB2_1-.Ltmp1, $4  }
0x13: {  	[sflag:s3] =	ssyncadd.s32 $0xFFFFA000  }
0x14: {  	[hbm4b:s5+s2] =	stream.linear.scatter [tilespmem:s2], [sflag:$0x1], $0x6000, $0x38;
	[tilespmem:$0x6000] =	vst v63  }
0x15: {  	_ =	swait.ge [sflag:s3], $0x6000  }
0x16: {  	[sflag:s3] =	ssyncset.done $0x0  }
.LBB2_2:
0x17: {  	[sflag:s3] =	ssyncadd.s32 $0xFFFFA000  }
0x18: {  	_ =	sfence.sel $0x180000  }
0x19: {  	[bflag:$0x0] =	sbarrier.arrive $0xFFFF  }
0x1a: {  	p0 =	sne.s32 s0, $0x0;
	_ =	strace $0x90000047  }
0x1b: {  	s0 =	sadd.s32 @!p0 $0x100000, s1;
	[bflag:$0x2] =	sbarrier.arrive $0xFFFF  }
0x1c: {  	[sflag:s0] =	ssyncadd.tile.s32 @!p0 $0x1;
	_ =	shalt  }
.Lfunc_end2:
_tile_overlayer_lowered:
.L_overlay_start_2:
0x1d: {  	(tag) =	ssettag $0x2  }
0x1e: {  	s0 =	rddreg [dreg:$0x0];
	s2 =	stileid.u32  }
0x1f: {  	s1 =	rddreg [dreg:$0x1];
	p0 =	sne.s32 s2, $0x0  }
0x20: {  	s3 =	rddreg [dreg:$0x2];
	[bflag:$0x3] =	sbarrier.arrive $0xFFFF;
	s2 =	simm.s32 @!p0 $0x1C01  }
0x21: {  	[timem:s3], [sflag:s2] =	dma.local @!p0 [hbm:s0], s1  }
0x22: {  	s0 =	simm.s32 @!p0 $0x1  }
0x23: {  	_ =	swait.ge @!p0 [sflag:s0], s1  }
0x24: {  	s1 =	ssub.s32 @!p0 $0x0, s1;
	[sflag:s0] =	ssyncset.done @!p0 $0x0  }
0x25: {  	[sflag:s0] =	ssyncadd.s32 @!p0 s1  }
0x26: {  	[bflag:$0x3] =	sbarrier.arrive $0xFFFF  }
0x27: {  	_ =	shalt  }

</sc_bundles>
